<compile_context>
chip_gen: v7x
topology: tpu7x:2x2x1
jax: 0.10.2.dev20260603
libtpu: 0.0.44.dev20260713+nightly
codegen_flags: <defaults>
</compile_context>

<pallas_src>
import jax
import jax.numpy as jnp
from jax import lax
from jax.experimental import pallas as pl
from jax.experimental.pallas import tpu as pltpu
from jax.experimental.pallas import tpu_sc as plsc

N_TABLE = 50
N_TABLE_PAD = 64
NW = 32
LANES = 16
BLK_R = 8
BLK_C = 2048
NBUF = 2


def _sc_body(*refs):
    species_hbm, volume_hbm, pf_hbm, vf_hbm, out_hbm = refs[:5]
    ratio_v, pf_v, vf_v = refs[5:8]
    sp_b = list(refs[8:8 + NBUF])
    vol_b = list(refs[8 + NBUF:8 + 2 * NBUF])
    out_b = list(refs[8 + 2 * NBUF:8 + 3 * NBUF])
    sp_sems = list(refs[8 + 3 * NBUF:8 + 4 * NBUF])
    vol_sems = list(refs[8 + 4 * NBUF:8 + 5 * NBUF])
    out_sems = list(refs[8 + 5 * NBUF:8 + 6 * NBUF])

    rows, cols = out_hbm.shape
    n_blocks = (rows // BLK_R) * (cols // BLK_C)
    per_w = n_blocks // NW
    wid = lax.axis_index("s") * 2 + lax.axis_index("c")

    pltpu.sync_copy(pf_hbm, pf_v.at[pl.ds(0, N_TABLE)])
    pltpu.sync_copy(vf_hbm, vf_v.at[pl.ds(0, N_TABLE)])
    for j in range(N_TABLE_PAD // LANES):
        sl = pl.ds(j * LANES, LANES)
        ratio_v[sl] = pf_v[sl] / vf_v[sl]

    halves = cols // BLK_C

    def block_slices(g):
        blk = wid * per_w + g
        r0 = (blk // halves) * BLK_R
        c0 = (blk % halves) * BLK_C
        return pl.ds(r0, BLK_R), pl.ds(c0, BLK_C)

    def start_in(g, b):
        rs, cs = block_slices(g)
        pltpu.async_copy(species_hbm.at[rs, cs], sp_b[b], sp_sems[b])
        pltpu.async_copy(volume_hbm.at[rs, cs], vol_b[b], vol_sems[b])

    def wait_in(g, b):
        rs, cs = block_slices(g)
        pltpu.make_async_copy(species_hbm.at[rs, cs], sp_b[b], sp_sems[b]).wait()
        pltpu.make_async_copy(volume_hbm.at[rs, cs], vol_b[b], vol_sems[b]).wait()

    def start_out(g, b):
        rs, cs = block_slices(g)
        pltpu.async_copy(out_b[b], out_hbm.at[rs, cs], out_sems[b])

    def wait_out(g, b):
        rs, cs = block_slices(g)
        pltpu.make_async_copy(out_b[b], out_hbm.at[rs, cs], out_sems[b]).wait()

    def compute(b):
        spb, volb, outb = sp_b[b], vol_b[b], out_b[b]

        @plsc.parallel_loop(0, BLK_R * BLK_C, step=LANES, unroll=8)
        def _(i):
            r = lax.shift_right_logical(i, 11)
            sl = pl.ds(lax.bitwise_and(i, BLK_C - 1), LANES)
            rv = plsc.load_gather(ratio_v, [spb[r, sl]])
            outb[r, sl] = volb[r, sl] * rv

    npairs = per_w // NBUF

    for g in range(NBUF):
        start_in(g, g)
    for b in range(NBUF):
        wait_in(b, b)
        compute(b)
        start_out(b, b)
        start_in(b + NBUF, b)

    def pair_body(gg, carry):
        for b in range(NBUF):
            g = gg * NBUF + b
            wait_in(g, b)
            wait_out(g - NBUF, b)
            compute(b)
            start_out(g, b)
            start_in(g + NBUF, b)
        return carry

    lax.fori_loop(1, npairs - 1, pair_body, 0)

    for b in range(NBUF):
        g = per_w - NBUF + b
        wait_in(g, b)
        wait_out(g - NBUF, b)
        compute(b)
        start_out(g, b)
    for b in range(NBUF):
        wait_out(per_w - NBUF + b, b)


def kernel(species, volume, polar_free, volume_free):
    mesh = plsc.VectorSubcoreMesh(core_axis_name="c", subcore_axis_name="s")
    run = pl.kernel(
        _sc_body,
        out_type=jax.ShapeDtypeStruct(species.shape, jnp.float32),
        mesh=mesh,
        scratch_types=[
            pltpu.VMEM((N_TABLE_PAD,), jnp.float32),
            pltpu.VMEM((N_TABLE_PAD,), jnp.float32),
            pltpu.VMEM((N_TABLE_PAD,), jnp.float32),
            *[pltpu.VMEM((BLK_R, BLK_C), jnp.int32) for _ in range(NBUF)],
            *[pltpu.VMEM((BLK_R, BLK_C), jnp.float32) for _ in range(NBUF)],
            *[pltpu.VMEM((BLK_R, BLK_C), jnp.float32) for _ in range(NBUF)],
            *[pltpu.SemaphoreType.DMA for _ in range(3 * NBUF)],
        ],
        compiler_params=pltpu.CompilerParams(needs_layout_passes=False,
                                             use_tc_tiling_on_sc=True),
    )
    return run(species.astype(jnp.int32), volume, polar_free, volume_free)

# --- scband reference (transcript-rebuilt; emitter-appended) ---
"""Pipeline reference for scband-polarizability-layer-10402410791127 (READ-ONLY COPY).

The authoritative reference and input builder live on the scoring server;
editing this copy changes nothing except your own understanding.
"""

import jax, jax.numpy as jnp
import numpy as np

N_SPECIES = 50
SHAPE = (4096, 4096)


def setup_inputs(seed: int = 0) -> dict:
    key = jax.random.key(seed)
    k1, k2 = jax.random.split(key)
    species = jax.random.randint(k1, SHAPE, 0, N_SPECIES)
    volume = jax.random.uniform(k2, SHAPE, dtype=jnp.float32)
    polar_free = jnp.asarray(1.0 + 0.1 * np.arange(N_SPECIES), dtype=jnp.float32)
    volume_free = jnp.asarray(2.0 + 0.05 * np.arange(N_SPECIES), dtype=jnp.float32)
    return {"species": species, "volume": volume, "polar_free": polar_free, "volume_free": volume_free}


def reference(species, volume, polar_free, volume_free):
    # Original torch loop: for i in range(n): result[species==i] = volume[species==i] * polar_free[i] / volume_free[i]
    # Since species values are guaranteed in [0, n), this is exactly an embedding gather of the
    # per-species ratio followed by an elementwise multiply.
    ratio = polar_free[species] / volume_free[species]
    result = volume * ratio
    return result

if __name__ == "__main__":
    import jax
    _d = setup_inputs()
    print(jax.jit(kernel)(*tuple(_d.values())))

</pallas_src>

<mosaic_0001>
#map = affine_map<(d0, d1) -> (0, 0)>
#map1 = affine_map<(d0, d1) -> (0)>
module attributes {stable_mosaic.version = 14 : i64} {
  func.func @_sc_body(%arg0: i32, %arg1: i32, %arg2: memref<4096x4096xi32, #tpu.memory_space<hbm>>, %arg3: memref<4096x4096xf32, #tpu.memory_space<hbm>>, %arg4: memref<50xf32, #tpu.memory_space<hbm>>, %arg5: memref<50xf32, #tpu.memory_space<hbm>>, %arg6: memref<4096x4096xf32, #tpu.memory_space<hbm>>, %arg7: memref<64xf32, #tpu.memory_space<vmem>>, %arg8: memref<64xf32, #tpu.memory_space<vmem>>, %arg9: memref<64xf32, #tpu.memory_space<vmem>>, %arg10: memref<8x2048xi32, #tpu.memory_space<vmem>>, %arg11: memref<8x2048xi32, #tpu.memory_space<vmem>>, %arg12: memref<8x2048xf32, #tpu.memory_space<vmem>>, %arg13: memref<8x2048xf32, #tpu.memory_space<vmem>>, %arg14: memref<8x2048xf32, #tpu.memory_space<vmem>>, %arg15: memref<8x2048xf32, #tpu.memory_space<vmem>>, %arg16: memref<!tpu.dma_semaphore, #tpu.memory_space<semaphore_mem>>, %arg17: memref<!tpu.dma_semaphore, #tpu.memory_space<semaphore_mem>>, %arg18: memref<!tpu.dma_semaphore, #tpu.memory_space<semaphore_mem>>, %arg19: memref<!tpu.dma_semaphore, #tpu.memory_space<semaphore_mem>>, %arg20: memref<!tpu.dma_semaphore, #tpu.memory_space<semaphore_mem>>, %arg21: memref<!tpu.dma_semaphore, #tpu.memory_space<semaphore_mem>>) attributes {dimension_semantics = [#tpu.dimension_semantics<core_parallel>, #tpu.dimension_semantics<subcore_parallel>], iteration_bounds = array<i64: 2, 16>, scalar_prefetch = 0 : i64, scratch_operands = 15 : i64, tpu.core_type = #tpu.core_type<sc_vector_subcore>, window_params = [{transform_indices = #map}, {transform_indices = #map}, {transform_indices = #map1}, {transform_indices = #map1}, {transform_indices = #map}]} {
    %mul3A = arith.constant 2 : i32
    %mul3A_0 = arith.muli %arg1, %mul3A : i32
    %add3A = arith.addi %mul3A_0, %arg0 : i32
    "tpu.region"() ({
      %run_scoped3A = tpu.sem_alloc : memref<!tpu.dma_semaphore, #tpu.memory_space<semaphore_mem>>
      %dma_start3A_847 = arith.constant 0 : i32
      %dma_start3A_848 = tpu.memref_slice %arg8[%dma_start3A_847] : memref<64xf32, #tpu.memory_space<vmem>> -> memref<50xf32, #tpu.memory_space<vmem>>
      %dma_start3A_849 = arith.constant 0 : i32
      %dma_start3A_850 = tpu.memref_slice %arg8[%dma_start3A_849] : memref<64xf32, #tpu.memory_space<vmem>> -> memref<50xf32, #tpu.memory_space<vmem>>
      tpu.enqueue_dma source(%arg4 : memref<50xf32, #tpu.memory_space<hbm>>) target(%dma_start3A_850 : memref<50xf32, #tpu.memory_space<vmem>>) target_semaphore(%run_scoped3A : memref<!tpu.dma_semaphore, #tpu.memory_space<semaphore_mem>>)
      %dma_wait3A_851 = arith.constant 0 : i32
      %dma_wait3A_852 = tpu.memref_slice %arg8[%dma_wait3A_851] : memref<64xf32, #tpu.memory_space<vmem>> -> memref<50xf32, #tpu.memory_space<vmem>>
      %dma_wait3A_853 = arith.constant 0 : i32
      %dma_wait3A_854 = tpu.memref_slice %arg8[%dma_wait3A_853] : memref<64xf32, #tpu.memory_space<vmem>> -> memref<50xf32, #tpu.memory_space<vmem>>
      tpu.wait_dma2 semaphore(%run_scoped3A : memref<!tpu.dma_semaphore, #tpu.memory_space<semaphore_mem>>) src(%arg4 : memref<50xf32, #tpu.memory_space<hbm>>) dst(%dma_wait3A_854 : memref<50xf32, #tpu.memory_space<vmem>>)
      tpu.yield
    }) : () -> ()
    "tpu.region"() ({
      %run_scoped3A = tpu.sem_alloc : memref<!tpu.dma_semaphore, #tpu.memory_space<semaphore_mem>>
      %dma_start3A_847 = arith.constant 0 : i32
      %dma_start3A_848 = tpu.memref_slice %arg9[%dma_start3A_847] : memref<64xf32, #tpu.memory_space<vmem>> -> memref<50xf32, #tpu.memory_space<vmem>>
      %dma_start3A_849 = arith.constant 0 : i32
      %dma_start3A_850 = tpu.memref_slice %arg9[%dma_start3A_849] : memref<64xf32, #tpu.memory_space<vmem>> -> memref<50xf32, #tpu.memory_space<vmem>>
      tpu.enqueue_dma source(%arg5 : memref<50xf32, #tpu.memory_space<hbm>>) target(%dma_start3A_850 : memref<50xf32, #tpu.memory_space<vmem>>) target_semaphore(%run_scoped3A : memref<!tpu.dma_semaphore, #tpu.memory_space<semaphore_mem>>)
      %dma_wait3A_851 = arith.constant 0 : i32
      %dma_wait3A_852 = tpu.memref_slice %arg9[%dma_wait3A_851] : memref<64xf32, #tpu.memory_space<vmem>> -> memref<50xf32, #tpu.memory_space<vmem>>
      %dma_wait3A_853 = arith.constant 0 : i32
      %dma_wait3A_854 = tpu.memref_slice %arg9[%dma_wait3A_853] : memref<64xf32, #tpu.memory_space<vmem>> -> memref<50xf32, #tpu.memory_space<vmem>>
      tpu.wait_dma2 semaphore(%run_scoped3A : memref<!tpu.dma_semaphore, #tpu.memory_space<semaphore_mem>>) src(%arg5 : memref<50xf32, #tpu.memory_space<hbm>>) dst(%dma_wait3A_854 : memref<50xf32, #tpu.memory_space<vmem>>)
      tpu.yield
    }) : () -> ()
    %get3A = arith.constant 0 : index
    %get3A_1 = tpu.vector_load %arg8[%get3A] {strides = array<i32>} : memref<64xf32, #tpu.memory_space<vmem>>, vector<16xf32>,
    %get3A_2 = arith.constant 0 : index
    %get3A_3 = tpu.vector_load %arg9[%get3A_2] {strides = array<i32>} : memref<64xf32, #tpu.memory_space<vmem>>, vector<16xf32>,
    %div3A = arith.divf %get3A_1, %get3A_3 : vector<16xf32>
    %swap3A = arith.constant 0 : index
    %swap3A_4 = tpu.vector_load %arg7[%swap3A] {strides = array<i32>} : memref<64xf32, #tpu.memory_space<vmem>>, vector<16xf32>,
    tpu.vector_store %arg7[%swap3A], %div3A {strides = array<i32>} : memref<64xf32, #tpu.memory_space<vmem>>, vector<16xf32>,
    %get3A_5 = arith.constant 16 : index
    %get3A_6 = tpu.vector_load %arg8[%get3A_5] {strides = array<i32>} : memref<64xf32, #tpu.memory_space<vmem>>, vector<16xf32>,
    %get3A_7 = arith.constant 16 : index
    %get3A_8 = tpu.vector_load %arg9[%get3A_7] {strides = array<i32>} : memref<64xf32, #tpu.memory_space<vmem>>, vector<16xf32>,
    %div3A_9 = arith.divf %get3A_6, %get3A_8 : vector<16xf32>
    %swap3A_10 = arith.constant 16 : index
    %swap3A_11 = tpu.vector_load %arg7[%swap3A_10] {strides = array<i32>} : memref<64xf32, #tpu.memory_space<vmem>>, vector<16xf32>,
    tpu.vector_store %arg7[%swap3A_10], %div3A_9 {strides = array<i32>} : memref<64xf32, #tpu.memory_space<vmem>>, vector<16xf32>,
    %get3A_12 = arith.constant 32 : index
    %get3A_13 = tpu.vector_load %arg8[%get3A_12] {strides = array<i32>} : memref<64xf32, #tpu.memory_space<vmem>>, vector<16xf32>,
    %get3A_14 = arith.constant 32 : index
    %get3A_15 = tpu.vector_load %arg9[%get3A_14] {strides = array<i32>} : memref<64xf32, #tpu.memory_space<vmem>>, vector<16xf32>,
    %div3A_16 = arith.divf %get3A_13, %get3A_15 : vector<16xf32>
    %swap3A_17 = arith.constant 32 : index
    %swap3A_18 = tpu.vector_load %arg7[%swap3A_17] {strides = array<i32>} : memref<64xf32, #tpu.memory_space<vmem>>, vector<16xf32>,
    tpu.vector_store %arg7[%swap3A_17], %div3A_16 {strides = array<i32>} : memref<64xf32, #tpu.memory_space<vmem>>, vector<16xf32>,
    %get3A_19 = arith.constant 48 : index
    %get3A_20 = tpu.vector_load %arg8[%get3A_19] {strides = array<i32>} : memref<64xf32, #tpu.memory_space<vmem>>, vector<16xf32>,
    %get3A_21 = arith.constant 48 : index
    %get3A_22 = tpu.vector_load %arg9[%get3A_21] {strides = array<i32>} : memref<64xf32, #tpu.memory_space<vmem>>, vector<16xf32>,
    %div3A_23 = arith.divf %get3A_20, %get3A_22 : vector<16xf32>
    %swap3A_24 = arith.constant 48 : index
    %swap3A_25 = tpu.vector_load %arg7[%swap3A_24] {strides = array<i32>} : memref<64xf32, #tpu.memory_space<vmem>>, vector<16xf32>,
    tpu.vector_store %arg7[%swap3A_24], %div3A_23 {strides = array<i32>} : memref<64xf32, #tpu.memory_space<vmem>>, vector<16xf32>,
    %mul3A_26 = arith.constant 32 : i32
    %mul3A_27 = arith.muli %add3A, %mul3A_26 : i32
    %add3A_28 = arith.constant 0 : i32
    %add3A_29 = arith.addi %mul3A_27, %add3A_28 : i32
    %jit3A = arith.constant 2 : i32
    %div3A_30 = arith.divsi %add3A_29, %jit3A : i32
    %sign3A = arith.constant 0 : i32
    %sign3A_31 = arith.cmpi sgt, %add3A_29, %sign3A : i32
    %sign3A_32 = arith.extui %sign3A_31 : i1 to i32
    %sign3A_33 = arith.constant 0 : i32
    %sign3A_34 = arith.cmpi slt, %add3A_29, %sign3A_33 : i32
    %sign3A_35 = arith.extui %sign3A_34 : i1 to i32
    %sign3A_36 = arith.subi %sign3A_32, %sign3A_35 : i32
    %sign3A_37 = arith.constant 0 : i32
    %sign3A_38 = arith.cmpi sgt, %jit3A, %sign3A_37 : i32
    %sign3A_39 = arith.extui %sign3A_38 : i1 to i32
    %sign3A_40 = arith.constant 0 : i32
    %sign3A_41 = arith.cmpi slt, %jit3A, %sign3A_40 : i32
    %sign3A_42 = arith.extui %sign3A_41 : i1 to i32
    %sign3A_43 = arith.subi %sign3A_39, %sign3A_42 : i32
    %ne3A = arith.cmpi ne, %sign3A_36, %sign3A_43 : i32
    %rem3A = arith.remsi %add3A_29, %jit3A : i32
    %ne3A_44 = arith.constant 0 : i32
    %ne3A_45 = arith.cmpi ne, %rem3A, %ne3A_44 : i32
    %and3A = arith.andi %ne3A, %ne3A_45 : i1
    %sub3A = arith.constant 1 : i32
    %sub3A_46 = arith.subi %div3A_30, %sub3A : i32
    %select_n3A = arith.select %and3A, %sub3A_46, %div3A_30 : i32
    %mul3A_47 = arith.constant 8 : i32
    %mul3A_48 = arith.muli %select_n3A, %mul3A_47 : i32
    %jit3A_49 = arith.constant 2 : i32
    %eq3A = arith.constant 0 : i32
    %eq3A_50 = arith.cmpi eq, %jit3A_49, %eq3A : i32
    %jit3A_51 = arith.constant 1 : i32
    %select_n3A_52 = arith.select %eq3A_50, %jit3A_51, %jit3A_49 : i32
    %rem3A_53 = arith.remsi %add3A_29, %select_n3A_52 : i32
    %ne3A_54 = arith.constant 0 : i32
    %ne3A_55 = arith.cmpi ne, %rem3A_53, %ne3A_54 : i32
    %lt3A = arith.constant 0 : i32
    %lt3A_56 = arith.cmpi slt, %rem3A_53, %lt3A : i32
    %lt3A_57 = arith.constant 0 : i32
    %lt3A_58 = arith.cmpi slt, %select_n3A_52, %lt3A_57 : i32
    %ne3A_59 = arith.xori %lt3A_56, %lt3A_58 : i1
    %and3A_60 = arith.andi %ne3A_59, %ne3A_55 : i1
    %add3A_61 = arith.addi %rem3A_53, %select_n3A_52 : i32
    %select_n3A_62 = arith.select %and3A_60, %add3A_61, %rem3A_53 : i32
    %mul3A_63 = arith.constant 2048 : i32
    %mul3A_64 = arith.muli %select_n3A_62, %mul3A_63 : i32
    %dma_start3A = tpu.memref_slice %arg2[%mul3A_48, %mul3A_64] : memref<4096x4096xi32, #tpu.memory_space<hbm>> -> memref<8x2048xi32, #tpu.memory_space<hbm>>
    %dma_start3A_65 = tpu.memref_slice %arg2[%mul3A_48, %mul3A_64] : memref<4096x4096xi32, #tpu.memory_space<hbm>> -> memref<8x2048xi32, #tpu.memory_space<hbm>>
    tpu.enqueue_dma source(%dma_start3A_65 : memref<8x2048xi32, #tpu.memory_space<hbm>>) target(%arg10 : memref<8x2048xi32, #tpu.memory_space<vmem>>) target_semaphore(%arg16 : memref<!tpu.dma_semaphore, #tpu.memory_space<semaphore_mem>>)
    %dma_start3A_66 = tpu.memref_slice %arg3[%mul3A_48, %mul3A_64] : memref<4096x4096xf32, #tpu.memory_space<hbm>> -> memref<8x2048xf32, #tpu.memory_space<hbm>>
    %dma_start3A_67 = tpu.memref_slice %arg3[%mul3A_48, %mul3A_64] : memref<4096x4096xf32, #tpu.memory_space<hbm>> -> memref<8x2048xf32, #tpu.memory_space<hbm>>
    tpu.enqueue_dma source(%dma_start3A_67 : memref<8x2048xf32, #tpu.memory_space<hbm>>) target(%arg12 : memref<8x2048xf32, #tpu.memory_space<vmem>>) target_semaphore(%arg18 : memref<!tpu.dma_semaphore, #tpu.memory_space<semaphore_mem>>)
    %mul3A_68 = arith.constant 32 : i32
    %mul3A_69 = arith.muli %add3A, %mul3A_68 : i32
    %add3A_70 = arith.constant 1 : i32
    %add3A_71 = arith.addi %mul3A_69, %add3A_70 : i32
    %jit3A_72 = arith.constant 2 : i32
    %div3A_73 = arith.divsi %add3A_71, %jit3A_72 : i32
    %sign3A_74 = arith.constant 0 : i32
    %sign3A_75 = arith.cmpi sgt, %add3A_71, %sign3A_74 : i32
    %sign3A_76 = arith.extui %sign3A_75 : i1 to i32
    %sign3A_77 = arith.constant 0 : i32
    %sign3A_78 = arith.cmpi slt, %add3A_71, %sign3A_77 : i32
    %sign3A_79 = arith.extui %sign3A_78 : i1 to i32
    %sign3A_80 = arith.subi %sign3A_76, %sign3A_79 : i32
    %sign3A_81 = arith.constant 0 : i32
    %sign3A_82 = arith.cmpi sgt, %jit3A_72, %sign3A_81 : i32
    %sign3A_83 = arith.extui %sign3A_82 : i1 to i32
    %sign3A_84 = arith.constant 0 : i32
    %sign3A_85 = arith.cmpi slt, %jit3A_72, %sign3A_84 : i32
    %sign3A_86 = arith.extui %sign3A_85 : i1 to i32
    %sign3A_87 = arith.subi %sign3A_83, %sign3A_86 : i32
    %ne3A_88 = arith.cmpi ne, %sign3A_80, %sign3A_87 : i32
    %rem3A_89 = arith.remsi %add3A_71, %jit3A_72 : i32
    %ne3A_90 = arith.constant 0 : i32
    %ne3A_91 = arith.cmpi ne, %rem3A_89, %ne3A_90 : i32
    %and3A_92 = arith.andi %ne3A_88, %ne3A_91 : i1
    %sub3A_93 = arith.constant 1 : i32
    %sub3A_94 = arith.subi %div3A_73, %sub3A_93 : i32
    %select_n3A_95 = arith.select %and3A_92, %sub3A_94, %div3A_73 : i32
    %mul3A_96 = arith.constant 8 : i32
    %mul3A_97 = arith.muli %select_n3A_95, %mul3A_96 : i32
    %jit3A_98 = arith.constant 2 : i32
    %eq3A_99 = arith.constant 0 : i32
    %eq3A_100 = arith.cmpi eq, %jit3A_98, %eq3A_99 : i32
    %jit3A_101 = arith.constant 1 : i32
    %select_n3A_102 = arith.select %eq3A_100, %jit3A_101, %jit3A_98 : i32
    %rem3A_103 = arith.remsi %add3A_71, %select_n3A_102 : i32
    %ne3A_104 = arith.constant 0 : i32
    %ne3A_105 = arith.cmpi ne, %rem3A_103, %ne3A_104 : i32
    %lt3A_106 = arith.constant 0 : i32
    %lt3A_107 = arith.cmpi slt, %rem3A_103, %lt3A_106 : i32
    %lt3A_108 = arith.constant 0 : i32
    %lt3A_109 = arith.cmpi slt, %select_n3A_102, %lt3A_108 : i32
    %ne3A_110 = arith.xori %lt3A_107, %lt3A_109 : i1
    %and3A_111 = arith.andi %ne3A_110, %ne3A_105 : i1
    %add3A_112 = arith.addi %rem3A_103, %select_n3A_102 : i32
    %select_n3A_113 = arith.select %and3A_111, %add3A_112, %rem3A_103 : i32
    %mul3A_114 = arith.constant 2048 : i32
    %mul3A_115 = arith.muli %select_n3A_113, %mul3A_114 : i32
    %dma_start3A_116 = tpu.memref_slice %arg2[%mul3A_97, %mul3A_115] : memref<4096x4096xi32, #tpu.memory_space<hbm>> -> memref<8x2048xi32, #tpu.memory_space<hbm>>
    %dma_start3A_117 = tpu.memref_slice %arg2[%mul3A_97, %mul3A_115] : memref<4096x4096xi32, #tpu.memory_space<hbm>> -> memref<8x2048xi32, #tpu.memory_space<hbm>>
    tpu.enqueue_dma source(%dma_start3A_117 : memref<8x2048xi32, #tpu.memory_space<hbm>>) target(%arg11 : memref<8x2048xi32, #tpu.memory_space<vmem>>) target_semaphore(%arg17 : memref<!tpu.dma_semaphore, #tpu.memory_space<semaphore_mem>>)
    %dma_start3A_118 = tpu.memref_slice %arg3[%mul3A_97, %mul3A_115] : memref<4096x4096xf32, #tpu.memory_space<hbm>> -> memref<8x2048xf32, #tpu.memory_space<hbm>>
    %dma_start3A_119 = tpu.memref_slice %arg3[%mul3A_97, %mul3A_115] : memref<4096x4096xf32, #tpu.memory_space<hbm>> -> memref<8x2048xf32, #tpu.memory_space<hbm>>
    tpu.enqueue_dma source(%dma_start3A_119 : memref<8x2048xf32, #tpu.memory_space<hbm>>) target(%arg13 : memref<8x2048xf32, #tpu.memory_space<vmem>>) target_semaphore(%arg19 : memref<!tpu.dma_semaphore, #tpu.memory_space<semaphore_mem>>)
    %mul3A_120 = arith.constant 32 : i32
    %mul3A_121 = arith.muli %add3A, %mul3A_120 : i32
    %add3A_122 = arith.constant 0 : i32
    %add3A_123 = arith.addi %mul3A_121, %add3A_122 : i32
    %jit3A_124 = arith.constant 2 : i32
    %div3A_125 = arith.divsi %add3A_123, %jit3A_124 : i32
    %sign3A_126 = arith.constant 0 : i32
    %sign3A_127 = arith.cmpi sgt, %add3A_123, %sign3A_126 : i32
    %sign3A_128 = arith.extui %sign3A_127 : i1 to i32
    %sign3A_129 = arith.constant 0 : i32
    %sign3A_130 = arith.cmpi slt, %add3A_123, %sign3A_129 : i32
    %sign3A_131 = arith.extui %sign3A_130 : i1 to i32
    %sign3A_132 = arith.subi %sign3A_128, %sign3A_131 : i32
    %sign3A_133 = arith.constant 0 : i32
    %sign3A_134 = arith.cmpi sgt, %jit3A_124, %sign3A_133 : i32
    %sign3A_135 = arith.extui %sign3A_134 : i1 to i32
    %sign3A_136 = arith.constant 0 : i32
    %sign3A_137 = arith.cmpi slt, %jit3A_124, %sign3A_136 : i32
    %sign3A_138 = arith.extui %sign3A_137 : i1 to i32
    %sign3A_139 = arith.subi %sign3A_135, %sign3A_138 : i32
    %ne3A_140 = arith.cmpi ne, %sign3A_132, %sign3A_139 : i32
    %rem3A_141 = arith.remsi %add3A_123, %jit3A_124 : i32
    %ne3A_142 = arith.constant 0 : i32
    %ne3A_143 = arith.cmpi ne, %rem3A_141, %ne3A_142 : i32
    %and3A_144 = arith.andi %ne3A_140, %ne3A_143 : i1
    %sub3A_145 = arith.constant 1 : i32
    %sub3A_146 = arith.subi %div3A_125, %sub3A_145 : i32
    %select_n3A_147 = arith.select %and3A_144, %sub3A_146, %div3A_125 : i32
    %mul3A_148 = arith.constant 8 : i32
    %mul3A_149 = arith.muli %select_n3A_147, %mul3A_148 : i32
    %jit3A_150 = arith.constant 2 : i32
    %eq3A_151 = arith.constant 0 : i32
    %eq3A_152 = arith.cmpi eq, %jit3A_150, %eq3A_151 : i32
    %jit3A_153 = arith.constant 1 : i32
    %select_n3A_154 = arith.select %eq3A_152, %jit3A_153, %jit3A_150 : i32
    %rem3A_155 = arith.remsi %add3A_123, %select_n3A_154 : i32
    %ne3A_156 = arith.constant 0 : i32
    %ne3A_157 = arith.cmpi ne, %rem3A_155, %ne3A_156 : i32
    %lt3A_158 = arith.constant 0 : i32
    %lt3A_159 = arith.cmpi slt, %rem3A_155, %lt3A_158 : i32
    %lt3A_160 = arith.constant 0 : i32
    %lt3A_161 = arith.cmpi slt, %select_n3A_154, %lt3A_160 : i32
    %ne3A_162 = arith.xori %lt3A_159, %lt3A_161 : i1
    %and3A_163 = arith.andi %ne3A_162, %ne3A_157 : i1
    %add3A_164 = arith.addi %rem3A_155, %select_n3A_154 : i32
    %select_n3A_165 = arith.select %and3A_163, %add3A_164, %rem3A_155 : i32
    %mul3A_166 = arith.constant 2048 : i32
    %mul3A_167 = arith.muli %select_n3A_165, %mul3A_166 : i32
    %dma_wait3A = tpu.memref_slice %arg2[%mul3A_149, %mul3A_167] : memref<4096x4096xi32, #tpu.memory_space<hbm>> -> memref<8x2048xi32, #tpu.memory_space<hbm>>
    %dma_wait3A_168 = tpu.memref_slice %arg2[%mul3A_149, %mul3A_167] : memref<4096x4096xi32, #tpu.memory_space<hbm>> -> memref<8x2048xi32, #tpu.memory_space<hbm>>
    tpu.wait_dma2 semaphore(%arg16 : memref<!tpu.dma_semaphore, #tpu.memory_space<semaphore_mem>>) src(%dma_wait3A_168 : memref<8x2048xi32, #tpu.memory_space<hbm>>) dst(%arg10 : memref<8x2048xi32, #tpu.memory_space<vmem>>)
    %dma_wait3A_169 = tpu.memref_slice %arg3[%mul3A_149, %mul3A_167] : memref<4096x4096xf32, #tpu.memory_space<hbm>> -> memref<8x2048xf32, #tpu.memory_space<hbm>>
    %dma_wait3A_170 = tpu.memref_slice %arg3[%mul3A_149, %mul3A_167] : memref<4096x4096xf32, #tpu.memory_space<hbm>> -> memref<8x2048xf32, #tpu.memory_space<hbm>>
    tpu.wait_dma2 semaphore(%arg18 : memref<!tpu.dma_semaphore, #tpu.memory_space<semaphore_mem>>) src(%dma_wait3A_170 : memref<8x2048xf32, #tpu.memory_space<hbm>>) dst(%arg12 : memref<8x2048xf32, #tpu.memory_space<vmem>>)
    %parallel_loop3A = arith.constant 0 : i32
    %parallel_loop3A_171 = arith.constant 16384 : i32
    %parallel_loop3A_172 = arith.constant 16 : i32
    scf.for %parallel_loop3A_847 = %parallel_loop3A to %parallel_loop3A_171 step %parallel_loop3A_172  : i32 {
      %parallel_loop3A_848 = arith.constant 11 : i32
      %parallel_loop3A_849 = arith.shrui %parallel_loop3A_847, %parallel_loop3A_848 : i32
      %parallel_loop3A_850 = arith.constant 2047 : i32
      %parallel_loop3A_851 = arith.andi %parallel_loop3A_847, %parallel_loop3A_850 : i32
      %parallel_loop3A_852 = arith.index_cast %parallel_loop3A_849 : i32 to index
      %parallel_loop3A_853 = arith.index_cast %parallel_loop3A_851 : i32 to index
      %parallel_loop3A_854 = tpu.vector_load %arg10[%parallel_loop3A_852, %parallel_loop3A_853] {strides = array<i32>} : memref<8x2048xi32, #tpu.memory_space<vmem>>, vector<16xi32>,
      %parallel_loop3A_855 = tpu.vector_load_idx %arg7[%parallel_loop3A_854] : memref<64xf32, #tpu.memory_space<vmem>>[vector<16xi32>], vector<16xf32>,
      %parallel_loop3A_856 = arith.index_cast %parallel_loop3A_849 : i32 to index
      %parallel_loop3A_857 = arith.index_cast %parallel_loop3A_851 : i32 to index
      %parallel_loop3A_858 = tpu.vector_load %arg12[%parallel_loop3A_856, %parallel_loop3A_857] {strides = array<i32>} : memref<8x2048xf32, #tpu.memory_space<vmem>>, vector<16xf32>,
      %parallel_loop3A_859 = arith.mulf %parallel_loop3A_858, %parallel_loop3A_855 : vector<16xf32>
      %parallel_loop3A_860 = arith.index_cast %parallel_loop3A_849 : i32 to index
      %parallel_loop3A_861 = arith.index_cast %parallel_loop3A_851 : i32 to index
      %parallel_loop3A_862 = tpu.vector_load %arg14[%parallel_loop3A_860, %parallel_loop3A_861] {strides = array<i32>} : memref<8x2048xf32, #tpu.memory_space<vmem>>, vector<16xf32>,
      tpu.vector_store %arg14[%parallel_loop3A_860, %parallel_loop3A_861], %parallel_loop3A_859 {strides = array<i32>} : memref<8x2048xf32, #tpu.memory_space<vmem>>, vector<16xf32>,
    } {sc.loop_unroll_factor = 8 : i64, sc.parallel_access}
    %mul3A_173 = arith.constant 32 : i32
    %mul3A_174 = arith.muli %add3A, %mul3A_173 : i32
    %add3A_175 = arith.constant 0 : i32
    %add3A_176 = arith.addi %mul3A_174, %add3A_175 : i32
    %jit3A_177 = arith.constant 2 : i32
    %div3A_178 = arith.divsi %add3A_176, %jit3A_177 : i32
    %sign3A_179 = arith.constant 0 : i32
    %sign3A_180 = arith.cmpi sgt, %add3A_176, %sign3A_179 : i32
    %sign3A_181 = arith.extui %sign3A_180 : i1 to i32
    %sign3A_182 = arith.constant 0 : i32
    %sign3A_183 = arith.cmpi slt, %add3A_176, %sign3A_182 : i32
    %sign3A_184 = arith.extui %sign3A_183 : i1 to i32
    %sign3A_185 = arith.subi %sign3A_181, %sign3A_184 : i32
    %sign3A_186 = arith.constant 0 : i32
    %sign3A_187 = arith.cmpi sgt, %jit3A_177, %sign3A_186 : i32
    %sign3A_188 = arith.extui %sign3A_187 : i1 to i32
    %sign3A_189 = arith.constant 0 : i32
    %sign3A_190 = arith.cmpi slt, %jit3A_177, %sign3A_189 : i32
    %sign3A_191 = arith.extui %sign3A_190 : i1 to i32
    %sign3A_192 = arith.subi %sign3A_188, %sign3A_191 : i32
    %ne3A_193 = arith.cmpi ne, %sign3A_185, %sign3A_192 : i32
    %rem3A_194 = arith.remsi %add3A_176, %jit3A_177 : i32
    %ne3A_195 = arith.constant 0 : i32
    %ne3A_196 = arith.cmpi ne, %rem3A_194, %ne3A_195 : i32
    %and3A_197 = arith.andi %ne3A_193, %ne3A_196 : i1
    %sub3A_198 = arith.constant 1 : i32
    %sub3A_199 = arith.subi %div3A_178, %sub3A_198 : i32
    %select_n3A_200 = arith.select %and3A_197, %sub3A_199, %div3A_178 : i32
    %mul3A_201 = arith.constant 8 : i32
    %mul3A_202 = arith.muli %select_n3A_200, %mul3A_201 : i32
    %jit3A_203 = arith.constant 2 : i32
    %eq3A_204 = arith.constant 0 : i32
    %eq3A_205 = arith.cmpi eq, %jit3A_203, %eq3A_204 : i32
    %jit3A_206 = arith.constant 1 : i32
    %select_n3A_207 = arith.select %eq3A_205, %jit3A_206, %jit3A_203 : i32
    %rem3A_208 = arith.remsi %add3A_176, %select_n3A_207 : i32
    %ne3A_209 = arith.constant 0 : i32
    %ne3A_210 = arith.cmpi ne, %rem3A_208, %ne3A_209 : i32
    %lt3A_211 = arith.constant 0 : i32
    %lt3A_212 = arith.cmpi slt, %rem3A_208, %lt3A_211 : i32
    %lt3A_213 = arith.constant 0 : i32
    %lt3A_214 = arith.cmpi slt, %select_n3A_207, %lt3A_213 : i32
    %ne3A_215 = arith.xori %lt3A_212, %lt3A_214 : i1
    %and3A_216 = arith.andi %ne3A_215, %ne3A_210 : i1
    %add3A_217 = arith.addi %rem3A_208, %select_n3A_207 : i32
    %select_n3A_218 = arith.select %and3A_216, %add3A_217, %rem3A_208 : i32
    %mul3A_219 = arith.constant 2048 : i32
    %mul3A_220 = arith.muli %select_n3A_218, %mul3A_219 : i32
    %dma_start3A_221 = tpu.memref_slice %arg6[%mul3A_202, %mul3A_220] : memref<4096x4096xf32, #tpu.memory_space<hbm>> -> memref<8x2048xf32, #tpu.memory_space<hbm>>
    %dma_start3A_222 = tpu.memref_slice %arg6[%mul3A_202, %mul3A_220] : memref<4096x4096xf32, #tpu.memory_space<hbm>> -> memref<8x2048xf32, #tpu.memory_space<hbm>>
    tpu.enqueue_dma source(%arg14 : memref<8x2048xf32, #tpu.memory_space<vmem>>) target(%dma_start3A_222 : memref<8x2048xf32, #tpu.memory_space<hbm>>) target_semaphore(%arg20 : memref<!tpu.dma_semaphore, #tpu.memory_space<semaphore_mem>>)
    %mul3A_223 = arith.constant 32 : i32
    %mul3A_224 = arith.muli %add3A, %mul3A_223 : i32
    %add3A_225 = arith.constant 2 : i32
    %add3A_226 = arith.addi %mul3A_224, %add3A_225 : i32
    %jit3A_227 = arith.constant 2 : i32
    %div3A_228 = arith.divsi %add3A_226, %jit3A_227 : i32
    %sign3A_229 = arith.constant 0 : i32
    %sign3A_230 = arith.cmpi sgt, %add3A_226, %sign3A_229 : i32
    %sign3A_231 = arith.extui %sign3A_230 : i1 to i32
    %sign3A_232 = arith.constant 0 : i32
    %sign3A_233 = arith.cmpi slt, %add3A_226, %sign3A_232 : i32
    %sign3A_234 = arith.extui %sign3A_233 : i1 to i32
    %sign3A_235 = arith.subi %sign3A_231, %sign3A_234 : i32
    %sign3A_236 = arith.constant 0 : i32
    %sign3A_237 = arith.cmpi sgt, %jit3A_227, %sign3A_236 : i32
    %sign3A_238 = arith.extui %sign3A_237 : i1 to i32
    %sign3A_239 = arith.constant 0 : i32
    %sign3A_240 = arith.cmpi slt, %jit3A_227, %sign3A_239 : i32
    %sign3A_241 = arith.extui %sign3A_240 : i1 to i32
    %sign3A_242 = arith.subi %sign3A_238, %sign3A_241 : i32
    %ne3A_243 = arith.cmpi ne, %sign3A_235, %sign3A_242 : i32
    %rem3A_244 = arith.remsi %add3A_226, %jit3A_227 : i32
    %ne3A_245 = arith.constant 0 : i32
    %ne3A_246 = arith.cmpi ne, %rem3A_244, %ne3A_245 : i32
    %and3A_247 = arith.andi %ne3A_243, %ne3A_246 : i1
    %sub3A_248 = arith.constant 1 : i32
    %sub3A_249 = arith.subi %div3A_228, %sub3A_248 : i32
    %select_n3A_250 = arith.select %and3A_247, %sub3A_249, %div3A_228 : i32
    %mul3A_251 = arith.constant 8 : i32
    %mul3A_252 = arith.muli %select_n3A_250, %mul3A_251 : i32
    %jit3A_253 = arith.constant 2 : i32
    %eq3A_254 = arith.constant 0 : i32
    %eq3A_255 = arith.cmpi eq, %jit3A_253, %eq3A_254 : i32
    %jit3A_256 = arith.constant 1 : i32
    %select_n3A_257 = arith.select %eq3A_255, %jit3A_256, %jit3A_253 : i32
    %rem3A_258 = arith.remsi %add3A_226, %select_n3A_257 : i32
    %ne3A_259 = arith.constant 0 : i32
    %ne3A_260 = arith.cmpi ne, %rem3A_258, %ne3A_259 : i32
    %lt3A_261 = arith.constant 0 : i32
    %lt3A_262 = arith.cmpi slt, %rem3A_258, %lt3A_261 : i32
    %lt3A_263 = arith.constant 0 : i32
    %lt3A_264 = arith.cmpi slt, %select_n3A_257, %lt3A_263 : i32
    %ne3A_265 = arith.xori %lt3A_262, %lt3A_264 : i1
    %and3A_266 = arith.andi %ne3A_265, %ne3A_260 : i1
    %add3A_267 = arith.addi %rem3A_258, %select_n3A_257 : i32
    %select_n3A_268 = arith.select %and3A_266, %add3A_267, %rem3A_258 : i32
    %mul3A_269 = arith.constant 2048 : i32
    %mul3A_270 = arith.muli %select_n3A_268, %mul3A_269 : i32
    %dma_start3A_271 = tpu.memref_slice %arg2[%mul3A_252, %mul3A_270] : memref<4096x4096xi32, #tpu.memory_space<hbm>> -> memref<8x2048xi32, #tpu.memory_space<hbm>>
    %dma_start3A_272 = tpu.memref_slice %arg2[%mul3A_252, %mul3A_270] : memref<4096x4096xi32, #tpu.memory_space<hbm>> -> memref<8x2048xi32, #tpu.memory_space<hbm>>
    tpu.enqueue_dma source(%dma_start3A_272 : memref<8x2048xi32, #tpu.memory_space<hbm>>) target(%arg10 : memref<8x2048xi32, #tpu.memory_space<vmem>>) target_semaphore(%arg16 : memref<!tpu.dma_semaphore, #tpu.memory_space<semaphore_mem>>)
    %dma_start3A_273 = tpu.memref_slice %arg3[%mul3A_252, %mul3A_270] : memref<4096x4096xf32, #tpu.memory_space<hbm>> -> memref<8x2048xf32, #tpu.memory_space<hbm>>
    %dma_start3A_274 = tpu.memref_slice %arg3[%mul3A_252, %mul3A_270] : memref<4096x4096xf32, #tpu.memory_space<hbm>> -> memref<8x2048xf32, #tpu.memory_space<hbm>>
    tpu.enqueue_dma source(%dma_start3A_274 : memref<8x2048xf32, #tpu.memory_space<hbm>>) target(%arg12 : memref<8x2048xf32, #tpu.memory_space<vmem>>) target_semaphore(%arg18 : memref<!tpu.dma_semaphore, #tpu.memory_space<semaphore_mem>>)
    %mul3A_275 = arith.constant 32 : i32
    %mul3A_276 = arith.muli %add3A, %mul3A_275 : i32
    %add3A_277 = arith.constant 1 : i32
    %add3A_278 = arith.addi %mul3A_276, %add3A_277 : i32
    %jit3A_279 = arith.constant 2 : i32
    %div3A_280 = arith.divsi %add3A_278, %jit3A_279 : i32
    %sign3A_281 = arith.constant 0 : i32
    %sign3A_282 = arith.cmpi sgt, %add3A_278, %sign3A_281 : i32
    %sign3A_283 = arith.extui %sign3A_282 : i1 to i32
    %sign3A_284 = arith.constant 0 : i32
    %sign3A_285 = arith.cmpi slt, %add3A_278, %sign3A_284 : i32
    %sign3A_286 = arith.extui %sign3A_285 : i1 to i32
    %sign3A_287 = arith.subi %sign3A_283, %sign3A_286 : i32
    %sign3A_288 = arith.constant 0 : i32
    %sign3A_289 = arith.cmpi sgt, %jit3A_279, %sign3A_288 : i32
    %sign3A_290 = arith.extui %sign3A_289 : i1 to i32
    %sign3A_291 = arith.constant 0 : i32
    %sign3A_292 = arith.cmpi slt, %jit3A_279, %sign3A_291 : i32
    %sign3A_293 = arith.extui %sign3A_292 : i1 to i32
    %sign3A_294 = arith.subi %sign3A_290, %sign3A_293 : i32
    %ne3A_295 = arith.cmpi ne, %sign3A_287, %sign3A_294 : i32
    %rem3A_296 = arith.remsi %add3A_278, %jit3A_279 : i32
    %ne3A_297 = arith.constant 0 : i32
    %ne3A_298 = arith.cmpi ne, %rem3A_296, %ne3A_297 : i32
    %and3A_299 = arith.andi %ne3A_295, %ne3A_298 : i1
    %sub3A_300 = arith.constant 1 : i32
    %sub3A_301 = arith.subi %div3A_280, %sub3A_300 : i32
    %select_n3A_302 = arith.select %and3A_299, %sub3A_301, %div3A_280 : i32
    %mul3A_303 = arith.constant 8 : i32
    %mul3A_304 = arith.muli %select_n3A_302, %mul3A_303 : i32
    %jit3A_305 = arith.constant 2 : i32
    %eq3A_306 = arith.constant 0 : i32
    %eq3A_307 = arith.cmpi eq, %jit3A_305, %eq3A_306 : i32
    %jit3A_308 = arith.constant 1 : i32
    %select_n3A_309 = arith.select %eq3A_307, %jit3A_308, %jit3A_305 : i32
    %rem3A_310 = arith.remsi %add3A_278, %select_n3A_309 : i32
    %ne3A_311 = arith.constant 0 : i32
    %ne3A_312 = arith.cmpi ne, %rem3A_310, %ne3A_311 : i32
    %lt3A_313 = arith.constant 0 : i32
    %lt3A_314 = arith.cmpi slt, %rem3A_310, %lt3A_313 : i32
    %lt3A_315 = arith.constant 0 : i32
    %lt3A_316 = arith.cmpi slt, %select_n3A_309, %lt3A_315 : i32
    %ne3A_317 = arith.xori %lt3A_314, %lt3A_316 : i1
    %and3A_318 = arith.andi %ne3A_317, %ne3A_312 : i1
    %add3A_319 = arith.addi %rem3A_310, %select_n3A_309 : i32
    %select_n3A_320 = arith.select %and3A_318, %add3A_319, %rem3A_310 : i32
    %mul3A_321 = arith.constant 2048 : i32
    %mul3A_322 = arith.muli %select_n3A_320, %mul3A_321 : i32
    %dma_wait3A_323 = tpu.memref_slice %arg2[%mul3A_304, %mul3A_322] : memref<4096x4096xi32, #tpu.memory_space<hbm>> -> memref<8x2048xi32, #tpu.memory_space<hbm>>
    %dma_wait3A_324 = tpu.memref_slice %arg2[%mul3A_304, %mul3A_322] : memref<4096x4096xi32, #tpu.memory_space<hbm>> -> memref<8x2048xi32, #tpu.memory_space<hbm>>
    tpu.wait_dma2 semaphore(%arg17 : memref<!tpu.dma_semaphore, #tpu.memory_space<semaphore_mem>>) src(%dma_wait3A_324 : memref<8x2048xi32, #tpu.memory_space<hbm>>) dst(%arg11 : memref<8x2048xi32, #tpu.memory_space<vmem>>)
    %dma_wait3A_325 = tpu.memref_slice %arg3[%mul3A_304, %mul3A_322] : memref<4096x4096xf32, #tpu.memory_space<hbm>> -> memref<8x2048xf32, #tpu.memory_space<hbm>>
    %dma_wait3A_326 = tpu.memref_slice %arg3[%mul3A_304, %mul3A_322] : memref<4096x4096xf32, #tpu.memory_space<hbm>> -> memref<8x2048xf32, #tpu.memory_space<hbm>>
    tpu.wait_dma2 semaphore(%arg19 : memref<!tpu.dma_semaphore, #tpu.memory_space<semaphore_mem>>) src(%dma_wait3A_326 : memref<8x2048xf32, #tpu.memory_space<hbm>>) dst(%arg13 : memref<8x2048xf32, #tpu.memory_space<vmem>>)
    %parallel_loop3A_327 = arith.constant 0 : i32
    %parallel_loop3A_328 = arith.constant 16384 : i32
    %parallel_loop3A_329 = arith.constant 16 : i32
    scf.for %parallel_loop3A_847 = %parallel_loop3A_327 to %parallel_loop3A_328 step %parallel_loop3A_329  : i32 {
      %parallel_loop3A_848 = arith.constant 11 : i32
      %parallel_loop3A_849 = arith.shrui %parallel_loop3A_847, %parallel_loop3A_848 : i32
      %parallel_loop3A_850 = arith.constant 2047 : i32
      %parallel_loop3A_851 = arith.andi %parallel_loop3A_847, %parallel_loop3A_850 : i32
      %parallel_loop3A_852 = arith.index_cast %parallel_loop3A_849 : i32 to index
      %parallel_loop3A_853 = arith.index_cast %parallel_loop3A_851 : i32 to index
      %parallel_loop3A_854 = tpu.vector_load %arg11[%parallel_loop3A_852, %parallel_loop3A_853] {strides = array<i32>} : memref<8x2048xi32, #tpu.memory_space<vmem>>, vector<16xi32>,
      %parallel_loop3A_855 = tpu.vector_load_idx %arg7[%parallel_loop3A_854] : memref<64xf32, #tpu.memory_space<vmem>>[vector<16xi32>], vector<16xf32>,
      %parallel_loop3A_856 = arith.index_cast %parallel_loop3A_849 : i32 to index
      %parallel_loop3A_857 = arith.index_cast %parallel_loop3A_851 : i32 to index
      %parallel_loop3A_858 = tpu.vector_load %arg13[%parallel_loop3A_856, %parallel_loop3A_857] {strides = array<i32>} : memref<8x2048xf32, #tpu.memory_space<vmem>>, vector<16xf32>,
      %parallel_loop3A_859 = arith.mulf %parallel_loop3A_858, %parallel_loop3A_855 : vector<16xf32>
      %parallel_loop3A_860 = arith.index_cast %parallel_loop3A_849 : i32 to index
      %parallel_loop3A_861 = arith.index_cast %parallel_loop3A_851 : i32 to index
      %parallel_loop3A_862 = tpu.vector_load %arg15[%parallel_loop3A_860, %parallel_loop3A_861] {strides = array<i32>} : memref<8x2048xf32, #tpu.memory_space<vmem>>, vector<16xf32>,
      tpu.vector_store %arg15[%parallel_loop3A_860, %parallel_loop3A_861], %parallel_loop3A_859 {strides = array<i32>} : memref<8x2048xf32, #tpu.memory_space<vmem>>, vector<16xf32>,
    } {sc.loop_unroll_factor = 8 : i64, sc.parallel_access}
    %mul3A_330 = arith.constant 32 : i32
    %mul3A_331 = arith.muli %add3A, %mul3A_330 : i32
    %add3A_332 = arith.constant 1 : i32
    %add3A_333 = arith.addi %mul3A_331, %add3A_332 : i32
    %jit3A_334 = arith.constant 2 : i32
    %div3A_335 = arith.divsi %add3A_333, %jit3A_334 : i32
    %sign3A_336 = arith.constant 0 : i32
    %sign3A_337 = arith.cmpi sgt, %add3A_333, %sign3A_336 : i32
    %sign3A_338 = arith.extui %sign3A_337 : i1 to i32
    %sign3A_339 = arith.constant 0 : i32
    %sign3A_340 = arith.cmpi slt, %add3A_333, %sign3A_339 : i32
    %sign3A_341 = arith.extui %sign3A_340 : i1 to i32
    %sign3A_342 = arith.subi %sign3A_338, %sign3A_341 : i32
    %sign3A_343 = arith.constant 0 : i32
    %sign3A_344 = arith.cmpi sgt, %jit3A_334, %sign3A_343 : i32
    %sign3A_345 = arith.extui %sign3A_344 : i1 to i32
    %sign3A_346 = arith.constant 0 : i32
    %sign3A_347 = arith.cmpi slt, %jit3A_334, %sign3A_346 : i32
    %sign3A_348 = arith.extui %sign3A_347 : i1 to i32
    %sign3A_349 = arith.subi %sign3A_345, %sign3A_348 : i32
    %ne3A_350 = arith.cmpi ne, %sign3A_342, %sign3A_349 : i32
    %rem3A_351 = arith.remsi %add3A_333, %jit3A_334 : i32
    %ne3A_352 = arith.constant 0 : i32
    %ne3A_353 = arith.cmpi ne, %rem3A_351, %ne3A_352 : i32
    %and3A_354 = arith.andi %ne3A_350, %ne3A_353 : i1
    %sub3A_355 = arith.constant 1 : i32
    %sub3A_356 = arith.subi %div3A_335, %sub3A_355 : i32
    %select_n3A_357 = arith.select %and3A_354, %sub3A_356, %div3A_335 : i32
    %mul3A_358 = arith.constant 8 : i32
    %mul3A_359 = arith.muli %select_n3A_357, %mul3A_358 : i32
    %jit3A_360 = arith.constant 2 : i32
    %eq3A_361 = arith.constant 0 : i32
    %eq3A_362 = arith.cmpi eq, %jit3A_360, %eq3A_361 : i32
    %jit3A_363 = arith.constant 1 : i32
    %select_n3A_364 = arith.select %eq3A_362, %jit3A_363, %jit3A_360 : i32
    %rem3A_365 = arith.remsi %add3A_333, %select_n3A_364 : i32
    %ne3A_366 = arith.constant 0 : i32
    %ne3A_367 = arith.cmpi ne, %rem3A_365, %ne3A_366 : i32
    %lt3A_368 = arith.constant 0 : i32
    %lt3A_369 = arith.cmpi slt, %rem3A_365, %lt3A_368 : i32
    %lt3A_370 = arith.constant 0 : i32
    %lt3A_371 = arith.cmpi slt, %select_n3A_364, %lt3A_370 : i32
    %ne3A_372 = arith.xori %lt3A_369, %lt3A_371 : i1
    %and3A_373 = arith.andi %ne3A_372, %ne3A_367 : i1
    %add3A_374 = arith.addi %rem3A_365, %select_n3A_364 : i32
    %select_n3A_375 = arith.select %and3A_373, %add3A_374, %rem3A_365 : i32
    %mul3A_376 = arith.constant 2048 : i32
    %mul3A_377 = arith.muli %select_n3A_375, %mul3A_376 : i32
    %dma_start3A_378 = tpu.memref_slice %arg6[%mul3A_359, %mul3A_377] : memref<4096x4096xf32, #tpu.memory_space<hbm>> -> memref<8x2048xf32, #tpu.memory_space<hbm>>
    %dma_start3A_379 = tpu.memref_slice %arg6[%mul3A_359, %mul3A_377] : memref<4096x4096xf32, #tpu.memory_space<hbm>> -> memref<8x2048xf32, #tpu.memory_space<hbm>>
    tpu.enqueue_dma source(%arg15 : memref<8x2048xf32, #tpu.memory_space<vmem>>) target(%dma_start3A_379 : memref<8x2048xf32, #tpu.memory_space<hbm>>) target_semaphore(%arg21 : memref<!tpu.dma_semaphore, #tpu.memory_space<semaphore_mem>>)
    %mul3A_380 = arith.constant 32 : i32
    %mul3A_381 = arith.muli %add3A, %mul3A_380 : i32
    %add3A_382 = arith.constant 3 : i32
    %add3A_383 = arith.addi %mul3A_381, %add3A_382 : i32
    %jit3A_384 = arith.constant 2 : i32
    %div3A_385 = arith.divsi %add3A_383, %jit3A_384 : i32
    %sign3A_386 = arith.constant 0 : i32
    %sign3A_387 = arith.cmpi sgt, %add3A_383, %sign3A_386 : i32
    %sign3A_388 = arith.extui %sign3A_387 : i1 to i32
    %sign3A_389 = arith.constant 0 : i32
    %sign3A_390 = arith.cmpi slt, %add3A_383, %sign3A_389 : i32
    %sign3A_391 = arith.extui %sign3A_390 : i1 to i32
    %sign3A_392 = arith.subi %sign3A_388, %sign3A_391 : i32
    %sign3A_393 = arith.constant 0 : i32
    %sign3A_394 = arith.cmpi sgt, %jit3A_384, %sign3A_393 : i32
    %sign3A_395 = arith.extui %sign3A_394 : i1 to i32
    %sign3A_396 = arith.constant 0 : i32
    %sign3A_397 = arith.cmpi slt, %jit3A_384, %sign3A_396 : i32
    %sign3A_398 = arith.extui %sign3A_397 : i1 to i32
    %sign3A_399 = arith.subi %sign3A_395, %sign3A_398 : i32
    %ne3A_400 = arith.cmpi ne, %sign3A_392, %sign3A_399 : i32
    %rem3A_401 = arith.remsi %add3A_383, %jit3A_384 : i32
    %ne3A_402 = arith.constant 0 : i32
    %ne3A_403 = arith.cmpi ne, %rem3A_401, %ne3A_402 : i32
    %and3A_404 = arith.andi %ne3A_400, %ne3A_403 : i1
    %sub3A_405 = arith.constant 1 : i32
    %sub3A_406 = arith.subi %div3A_385, %sub3A_405 : i32
    %select_n3A_407 = arith.select %and3A_404, %sub3A_406, %div3A_385 : i32
    %mul3A_408 = arith.constant 8 : i32
    %mul3A_409 = arith.muli %select_n3A_407, %mul3A_408 : i32
    %jit3A_410 = arith.constant 2 : i32
    %eq3A_411 = arith.constant 0 : i32
    %eq3A_412 = arith.cmpi eq, %jit3A_410, %eq3A_411 : i32
    %jit3A_413 = arith.constant 1 : i32
    %select_n3A_414 = arith.select %eq3A_412, %jit3A_413, %jit3A_410 : i32
    %rem3A_415 = arith.remsi %add3A_383, %select_n3A_414 : i32
    %ne3A_416 = arith.constant 0 : i32
    %ne3A_417 = arith.cmpi ne, %rem3A_415, %ne3A_416 : i32
    %lt3A_418 = arith.constant 0 : i32
    %lt3A_419 = arith.cmpi slt, %rem3A_415, %lt3A_418 : i32
    %lt3A_420 = arith.constant 0 : i32
    %lt3A_421 = arith.cmpi slt, %select_n3A_414, %lt3A_420 : i32
    %ne3A_422 = arith.xori %lt3A_419, %lt3A_421 : i1
    %and3A_423 = arith.andi %ne3A_422, %ne3A_417 : i1
    %add3A_424 = arith.addi %rem3A_415, %select_n3A_414 : i32
    %select_n3A_425 = arith.select %and3A_423, %add3A_424, %rem3A_415 : i32
    %mul3A_426 = arith.constant 2048 : i32
    %mul3A_427 = arith.muli %select_n3A_425, %mul3A_426 : i32
    %dma_start3A_428 = tpu.memref_slice %arg2[%mul3A_409, %mul3A_427] : memref<4096x4096xi32, #tpu.memory_space<hbm>> -> memref<8x2048xi32, #tpu.memory_space<hbm>>
    %dma_start3A_429 = tpu.memref_slice %arg2[%mul3A_409, %mul3A_427] : memref<4096x4096xi32, #tpu.memory_space<hbm>> -> memref<8x2048xi32, #tpu.memory_space<hbm>>
    tpu.enqueue_dma source(%dma_start3A_429 : memref<8x2048xi32, #tpu.memory_space<hbm>>) target(%arg11 : memref<8x2048xi32, #tpu.memory_space<vmem>>) target_semaphore(%arg17 : memref<!tpu.dma_semaphore, #tpu.memory_space<semaphore_mem>>)
    %dma_start3A_430 = tpu.memref_slice %arg3[%mul3A_409, %mul3A_427] : memref<4096x4096xf32, #tpu.memory_space<hbm>> -> memref<8x2048xf32, #tpu.memory_space<hbm>>
    %dma_start3A_431 = tpu.memref_slice %arg3[%mul3A_409, %mul3A_427] : memref<4096x4096xf32, #tpu.memory_space<hbm>> -> memref<8x2048xf32, #tpu.memory_space<hbm>>
    tpu.enqueue_dma source(%dma_start3A_431 : memref<8x2048xf32, #tpu.memory_space<hbm>>) target(%arg13 : memref<8x2048xf32, #tpu.memory_space<vmem>>) target_semaphore(%arg19 : memref<!tpu.dma_semaphore, #tpu.memory_space<semaphore_mem>>)
    %scan3A = arith.constant 0 : i32
    %scan3A_432 = arith.constant 1 : i32
    %scan3A_433 = arith.constant 14 : i32
    %scan3A_434 = arith.addi %scan3A_432, %scan3A_433 : i32
    %scan3A_435 = arith.constant 1 : i32
    scf.for %scan3A_847 = %scan3A_432 to %scan3A_434 step %scan3A_435  : i32 {
      %mul3A_848 = arith.constant 2 : i32
      %mul3A_849 = arith.muli %scan3A_847, %mul3A_848 : i32
      %add3A_850 = arith.constant 0 : i32
      %add3A_851 = arith.addi %mul3A_849, %add3A_850 : i32
      %mul3A_852 = arith.constant 32 : i32
      %mul3A_853 = arith.muli %add3A, %mul3A_852 : i32
      %add3A_854 = arith.addi %mul3A_853, %add3A_851 : i32
      %jit3A_855 = arith.constant 2 : i32
      %div3A_856 = arith.divsi %add3A_854, %jit3A_855 : i32
      %sign3A_857 = arith.constant 0 : i32
      %sign3A_858 = arith.cmpi sgt, %add3A_854, %sign3A_857 : i32
      %sign3A_859 = arith.extui %sign3A_858 : i1 to i32
      %sign3A_860 = arith.constant 0 : i32
      %sign3A_861 = arith.cmpi slt, %add3A_854, %sign3A_860 : i32
      %sign3A_862 = arith.extui %sign3A_861 : i1 to i32
      %sign3A_863 = arith.subi %sign3A_859, %sign3A_862 : i32
      %sign3A_864 = arith.constant 0 : i32
      %sign3A_865 = arith.cmpi sgt, %jit3A_855, %sign3A_864 : i32
      %sign3A_866 = arith.extui %sign3A_865 : i1 to i32
      %sign3A_867 = arith.constant 0 : i32
      %sign3A_868 = arith.cmpi slt, %jit3A_855, %sign3A_867 : i32
      %sign3A_869 = arith.extui %sign3A_868 : i1 to i32
      %sign3A_870 = arith.subi %sign3A_866, %sign3A_869 : i32
      %ne3A_871 = arith.cmpi ne, %sign3A_863, %sign3A_870 : i32
      %rem3A_872 = arith.remsi %add3A_854, %jit3A_855 : i32
      %ne3A_873 = arith.constant 0 : i32
      %ne3A_874 = arith.cmpi ne, %rem3A_872, %ne3A_873 : i32
      %and3A_875 = arith.andi %ne3A_871, %ne3A_874 : i1
      %sub3A_876 = arith.constant 1 : i32
      %sub3A_877 = arith.subi %div3A_856, %sub3A_876 : i32
      %select_n3A_878 = arith.select %and3A_875, %sub3A_877, %div3A_856 : i32
      %mul3A_879 = arith.constant 8 : i32
      %mul3A_880 = arith.muli %select_n3A_878, %mul3A_879 : i32
      %jit3A_881 = arith.constant 2 : i32
      %eq3A_882 = arith.constant 0 : i32
      %eq3A_883 = arith.cmpi eq, %jit3A_881, %eq3A_882 : i32
      %jit3A_884 = arith.constant 1 : i32
      %select_n3A_885 = arith.select %eq3A_883, %jit3A_884, %jit3A_881 : i32
      %rem3A_886 = arith.remsi %add3A_854, %select_n3A_885 : i32
      %ne3A_887 = arith.constant 0 : i32
      %ne3A_888 = arith.cmpi ne, %rem3A_886, %ne3A_887 : i32
      %lt3A_889 = arith.constant 0 : i32
      %lt3A_890 = arith.cmpi slt, %rem3A_886, %lt3A_889 : i32
      %lt3A_891 = arith.constant 0 : i32
      %lt3A_892 = arith.cmpi slt, %select_n3A_885, %lt3A_891 : i32
      %ne3A_893 = arith.xori %lt3A_890, %lt3A_892 : i1
      %and3A_894 = arith.andi %ne3A_893, %ne3A_888 : i1
      %add3A_895 = arith.addi %rem3A_886, %select_n3A_885 : i32
      %select_n3A_896 = arith.select %and3A_894, %add3A_895, %rem3A_886 : i32
      %mul3A_897 = arith.constant 2048 : i32
      %mul3A_898 = arith.muli %select_n3A_896, %mul3A_897 : i32
      %dma_wait3A_899 = tpu.memref_slice %arg2[%mul3A_880, %mul3A_898] : memref<4096x4096xi32, #tpu.memory_space<hbm>> -> memref<8x2048xi32, #tpu.memory_space<hbm>>
      %dma_wait3A_900 = tpu.memref_slice %arg2[%mul3A_880, %mul3A_898] : memref<4096x4096xi32, #tpu.memory_space<hbm>> -> memref<8x2048xi32, #tpu.memory_space<hbm>>
      tpu.wait_dma2 semaphore(%arg16 : memref<!tpu.dma_semaphore, #tpu.memory_space<semaphore_mem>>) src(%dma_wait3A_900 : memref<8x2048xi32, #tpu.memory_space<hbm>>) dst(%arg10 : memref<8x2048xi32, #tpu.memory_space<vmem>>)
      %dma_wait3A_901 = tpu.memref_slice %arg3[%mul3A_880, %mul3A_898] : memref<4096x4096xf32, #tpu.memory_space<hbm>> -> memref<8x2048xf32, #tpu.memory_space<hbm>>
      %dma_wait3A_902 = tpu.memref_slice %arg3[%mul3A_880, %mul3A_898] : memref<4096x4096xf32, #tpu.memory_space<hbm>> -> memref<8x2048xf32, #tpu.memory_space<hbm>>
      tpu.wait_dma2 semaphore(%arg18 : memref<!tpu.dma_semaphore, #tpu.memory_space<semaphore_mem>>) src(%dma_wait3A_902 : memref<8x2048xf32, #tpu.memory_space<hbm>>) dst(%arg12 : memref<8x2048xf32, #tpu.memory_space<vmem>>)
      %sub3A_903 = arith.constant 2 : i32
      %sub3A_904 = arith.subi %add3A_851, %sub3A_903 : i32
      %mul3A_905 = arith.constant 32 : i32
      %mul3A_906 = arith.muli %add3A, %mul3A_905 : i32
      %add3A_907 = arith.addi %mul3A_906, %sub3A_904 : i32
      %jit3A_908 = arith.constant 2 : i32
      %div3A_909 = arith.divsi %add3A_907, %jit3A_908 : i32
      %sign3A_910 = arith.constant 0 : i32
      %sign3A_911 = arith.cmpi sgt, %add3A_907, %sign3A_910 : i32
      %sign3A_912 = arith.extui %sign3A_911 : i1 to i32
      %sign3A_913 = arith.constant 0 : i32
      %sign3A_914 = arith.cmpi slt, %add3A_907, %sign3A_913 : i32
      %sign3A_915 = arith.extui %sign3A_914 : i1 to i32
      %sign3A_916 = arith.subi %sign3A_912, %sign3A_915 : i32
      %sign3A_917 = arith.constant 0 : i32
      %sign3A_918 = arith.cmpi sgt, %jit3A_908, %sign3A_917 : i32
      %sign3A_919 = arith.extui %sign3A_918 : i1 to i32
      %sign3A_920 = arith.constant 0 : i32
      %sign3A_921 = arith.cmpi slt, %jit3A_908, %sign3A_920 : i32
      %sign3A_922 = arith.extui %sign3A_921 : i1 to i32
      %sign3A_923 = arith.subi %sign3A_919, %sign3A_922 : i32
      %ne3A_924 = arith.cmpi ne, %sign3A_916, %sign3A_923 : i32
      %rem3A_925 = arith.remsi %add3A_907, %jit3A_908 : i32
      %ne3A_926 = arith.constant 0 : i32
      %ne3A_927 = arith.cmpi ne, %rem3A_925, %ne3A_926 : i32
      %and3A_928 = arith.andi %ne3A_924, %ne3A_927 : i1
      %sub3A_929 = arith.constant 1 : i32
      %sub3A_930 = arith.subi %div3A_909, %sub3A_929 : i32
      %select_n3A_931 = arith.select %and3A_928, %sub3A_930, %div3A_909 : i32
      %mul3A_932 = arith.constant 8 : i32
      %mul3A_933 = arith.muli %select_n3A_931, %mul3A_932 : i32
      %jit3A_934 = arith.constant 2 : i32
      %eq3A_935 = arith.constant 0 : i32
      %eq3A_936 = arith.cmpi eq, %jit3A_934, %eq3A_935 : i32
      %jit3A_937 = arith.constant 1 : i32
      %select_n3A_938 = arith.select %eq3A_936, %jit3A_937, %jit3A_934 : i32
      %rem3A_939 = arith.remsi %add3A_907, %select_n3A_938 : i32
      %ne3A_940 = arith.constant 0 : i32
      %ne3A_941 = arith.cmpi ne, %rem3A_939, %ne3A_940 : i32
      %lt3A_942 = arith.constant 0 : i32
      %lt3A_943 = arith.cmpi slt, %rem3A_939, %lt3A_942 : i32
      %lt3A_944 = arith.constant 0 : i32
      %lt3A_945 = arith.cmpi slt, %select_n3A_938, %lt3A_944 : i32
      %ne3A_946 = arith.xori %lt3A_943, %lt3A_945 : i1
      %and3A_947 = arith.andi %ne3A_946, %ne3A_941 : i1
      %add3A_948 = arith.addi %rem3A_939, %select_n3A_938 : i32
      %select_n3A_949 = arith.select %and3A_947, %add3A_948, %rem3A_939 : i32
      %mul3A_950 = arith.constant 2048 : i32
      %mul3A_951 = arith.muli %select_n3A_949, %mul3A_950 : i32
      %dma_wait3A_952 = tpu.memref_slice %arg6[%mul3A_933, %mul3A_951] : memref<4096x4096xf32, #tpu.memory_space<hbm>> -> memref<8x2048xf32, #tpu.memory_space<hbm>>
      %dma_wait3A_953 = tpu.memref_slice %arg6[%mul3A_933, %mul3A_951] : memref<4096x4096xf32, #tpu.memory_space<hbm>> -> memref<8x2048xf32, #tpu.memory_space<hbm>>
      tpu.wait_dma2 semaphore(%arg20 : memref<!tpu.dma_semaphore, #tpu.memory_space<semaphore_mem>>) src(%arg14 : memref<8x2048xf32, #tpu.memory_space<vmem>>) dst(%dma_wait3A_953 : memref<8x2048xf32, #tpu.memory_space<hbm>>)
      %parallel_loop3A_954 = arith.constant 0 : i32
      %parallel_loop3A_955 = arith.constant 16384 : i32
      %parallel_loop3A_956 = arith.constant 16 : i32
      scf.for %parallel_loop3A_1270 = %parallel_loop3A_954 to %parallel_loop3A_955 step %parallel_loop3A_956  : i32 {
        %parallel_loop3A_1271 = arith.constant 11 : i32
        %parallel_loop3A_1272 = arith.shrui %parallel_loop3A_1270, %parallel_loop3A_1271 : i32
        %parallel_loop3A_1273 = arith.constant 2047 : i32
        %parallel_loop3A_1274 = arith.andi %parallel_loop3A_1270, %parallel_loop3A_1273 : i32
        %parallel_loop3A_1275 = arith.index_cast %parallel_loop3A_1272 : i32 to index
        %parallel_loop3A_1276 = arith.index_cast %parallel_loop3A_1274 : i32 to index
        %parallel_loop3A_1277 = tpu.vector_load %arg10[%parallel_loop3A_1275, %parallel_loop3A_1276] {strides = array<i32>} : memref<8x2048xi32, #tpu.memory_space<vmem>>, vector<16xi32>,
        %parallel_loop3A_1278 = tpu.vector_load_idx %arg7[%parallel_loop3A_1277] : memref<64xf32, #tpu.memory_space<vmem>>[vector<16xi32>], vector<16xf32>,
        %parallel_loop3A_1279 = arith.index_cast %parallel_loop3A_1272 : i32 to index
        %parallel_loop3A_1280 = arith.index_cast %parallel_loop3A_1274 : i32 to index
        %parallel_loop3A_1281 = tpu.vector_load %arg12[%parallel_loop3A_1279, %parallel_loop3A_1280] {strides = array<i32>} : memref<8x2048xf32, #tpu.memory_space<vmem>>, vector<16xf32>,
        %parallel_loop3A_1282 = arith.mulf %parallel_loop3A_1281, %parallel_loop3A_1278 : vector<16xf32>
        %parallel_loop3A_1283 = arith.index_cast %parallel_loop3A_1272 : i32 to index
        %parallel_loop3A_1284 = arith.index_cast %parallel_loop3A_1274 : i32 to index
        %parallel_loop3A_1285 = tpu.vector_load %arg14[%parallel_loop3A_1283, %parallel_loop3A_1284] {strides = array<i32>} : memref<8x2048xf32, #tpu.memory_space<vmem>>, vector<16xf32>,
        tpu.vector_store %arg14[%parallel_loop3A_1283, %parallel_loop3A_1284], %parallel_loop3A_1282 {strides = array<i32>} : memref<8x2048xf32, #tpu.memory_space<vmem>>, vector<16xf32>,
      } {sc.loop_unroll_factor = 8 : i64, sc.parallel_access}
      %mul3A_957 = arith.constant 32 : i32
      %mul3A_958 = arith.muli %add3A, %mul3A_957 : i32
      %add3A_959 = arith.addi %mul3A_958, %add3A_851 : i32
      %jit3A_960 = arith.constant 2 : i32
      %div3A_961 = arith.divsi %add3A_959, %jit3A_960 : i32
      %sign3A_962 = arith.constant 0 : i32
      %sign3A_963 = arith.cmpi sgt, %add3A_959, %sign3A_962 : i32
      %sign3A_964 = arith.extui %sign3A_963 : i1 to i32
      %sign3A_965 = arith.constant 0 : i32
      %sign3A_966 = arith.cmpi slt, %add3A_959, %sign3A_965 : i32
      %sign3A_967 = arith.extui %sign3A_966 : i1 to i32
      %sign3A_968 = arith.subi %sign3A_964, %sign3A_967 : i32
      %sign3A_969 = arith.constant 0 : i32
      %sign3A_970 = arith.cmpi sgt, %jit3A_960, %sign3A_969 : i32
      %sign3A_971 = arith.extui %sign3A_970 : i1 to i32
      %sign3A_972 = arith.constant 0 : i32
      %sign3A_973 = arith.cmpi slt, %jit3A_960, %sign3A_972 : i32
      %sign3A_974 = arith.extui %sign3A_973 : i1 to i32
      %sign3A_975 = arith.subi %sign3A_971, %sign3A_974 : i32
      %ne3A_976 = arith.cmpi ne, %sign3A_968, %sign3A_975 : i32
      %rem3A_977 = arith.remsi %add3A_959, %jit3A_960 : i32
      %ne3A_978 = arith.constant 0 : i32
      %ne3A_979 = arith.cmpi ne, %rem3A_977, %ne3A_978 : i32
      %and3A_980 = arith.andi %ne3A_976, %ne3A_979 : i1
      %sub3A_981 = arith.constant 1 : i32
      %sub3A_982 = arith.subi %div3A_961, %sub3A_981 : i32
      %select_n3A_983 = arith.select %and3A_980, %sub3A_982, %div3A_961 : i32
      %mul3A_984 = arith.constant 8 : i32
      %mul3A_985 = arith.muli %select_n3A_983, %mul3A_984 : i32
      %jit3A_986 = arith.constant 2 : i32
      %eq3A_987 = arith.constant 0 : i32
      %eq3A_988 = arith.cmpi eq, %jit3A_986, %eq3A_987 : i32
      %jit3A_989 = arith.constant 1 : i32
      %select_n3A_990 = arith.select %eq3A_988, %jit3A_989, %jit3A_986 : i32
      %rem3A_991 = arith.remsi %add3A_959, %select_n3A_990 : i32
      %ne3A_992 = arith.constant 0 : i32
      %ne3A_993 = arith.cmpi ne, %rem3A_991, %ne3A_992 : i32
      %lt3A_994 = arith.constant 0 : i32
      %lt3A_995 = arith.cmpi slt, %rem3A_991, %lt3A_994 : i32
      %lt3A_996 = arith.constant 0 : i32
      %lt3A_997 = arith.cmpi slt, %select_n3A_990, %lt3A_996 : i32
      %ne3A_998 = arith.xori %lt3A_995, %lt3A_997 : i1
      %and3A_999 = arith.andi %ne3A_998, %ne3A_993 : i1
      %add3A_1000 = arith.addi %rem3A_991, %select_n3A_990 : i32
      %select_n3A_1001 = arith.select %and3A_999, %add3A_1000, %rem3A_991 : i32
      %mul3A_1002 = arith.constant 2048 : i32
      %mul3A_1003 = arith.muli %select_n3A_1001, %mul3A_1002 : i32
      %dma_start3A_1004 = tpu.memref_slice %arg6[%mul3A_985, %mul3A_1003] : memref<4096x4096xf32, #tpu.memory_space<hbm>> -> memref<8x2048xf32, #tpu.memory_space<hbm>>
      %dma_start3A_1005 = tpu.memref_slice %arg6[%mul3A_985, %mul3A_1003] : memref<4096x4096xf32, #tpu.memory_space<hbm>> -> memref<8x2048xf32, #tpu.memory_space<hbm>>
      tpu.enqueue_dma source(%arg14 : memref<8x2048xf32, #tpu.memory_space<vmem>>) target(%dma_start3A_1005 : memref<8x2048xf32, #tpu.memory_space<hbm>>) target_semaphore(%arg20 : memref<!tpu.dma_semaphore, #tpu.memory_space<semaphore_mem>>)
      %add3A_1006 = arith.constant 2 : i32
      %add3A_1007 = arith.addi %add3A_851, %add3A_1006 : i32
      %mul3A_1008 = arith.constant 32 : i32
      %mul3A_1009 = arith.muli %add3A, %mul3A_1008 : i32
      %add3A_1010 = arith.addi %mul3A_1009, %add3A_1007 : i32
      %jit3A_1011 = arith.constant 2 : i32
      %div3A_1012 = arith.divsi %add3A_1010, %jit3A_1011 : i32
      %sign3A_1013 = arith.constant 0 : i32
      %sign3A_1014 = arith.cmpi sgt, %add3A_1010, %sign3A_1013 : i32
      %sign3A_1015 = arith.extui %sign3A_1014 : i1 to i32
      %sign3A_1016 = arith.constant 0 : i32
      %sign3A_1017 = arith.cmpi slt, %add3A_1010, %sign3A_1016 : i32
      %sign3A_1018 = arith.extui %sign3A_1017 : i1 to i32
      %sign3A_1019 = arith.subi %sign3A_1015, %sign3A_1018 : i32
      %sign3A_1020 = arith.constant 0 : i32
      %sign3A_1021 = arith.cmpi sgt, %jit3A_1011, %sign3A_1020 : i32
      %sign3A_1022 = arith.extui %sign3A_1021 : i1 to i32
      %sign3A_1023 = arith.constant 0 : i32
      %sign3A_1024 = arith.cmpi slt, %jit3A_1011, %sign3A_1023 : i32
      %sign3A_1025 = arith.extui %sign3A_1024 : i1 to i32
      %sign3A_1026 = arith.subi %sign3A_1022, %sign3A_1025 : i32
      %ne3A_1027 = arith.cmpi ne, %sign3A_1019, %sign3A_1026 : i32
      %rem3A_1028 = arith.remsi %add3A_1010, %jit3A_1011 : i32
      %ne3A_1029 = arith.constant 0 : i32
      %ne3A_1030 = arith.cmpi ne, %rem3A_1028, %ne3A_1029 : i32
      %and3A_1031 = arith.andi %ne3A_1027, %ne3A_1030 : i1
      %sub3A_1032 = arith.constant 1 : i32
      %sub3A_1033 = arith.subi %div3A_1012, %sub3A_1032 : i32
      %select_n3A_1034 = arith.select %and3A_1031, %sub3A_1033, %div3A_1012 : i32
      %mul3A_1035 = arith.constant 8 : i32
      %mul3A_1036 = arith.muli %select_n3A_1034, %mul3A_1035 : i32
      %jit3A_1037 = arith.constant 2 : i32
      %eq3A_1038 = arith.constant 0 : i32
      %eq3A_1039 = arith.cmpi eq, %jit3A_1037, %eq3A_1038 : i32
      %jit3A_1040 = arith.constant 1 : i32
      %select_n3A_1041 = arith.select %eq3A_1039, %jit3A_1040, %jit3A_1037 : i32
      %rem3A_1042 = arith.remsi %add3A_1010, %select_n3A_1041 : i32
      %ne3A_1043 = arith.constant 0 : i32
      %ne3A_1044 = arith.cmpi ne, %rem3A_1042, %ne3A_1043 : i32
      %lt3A_1045 = arith.constant 0 : i32
      %lt3A_1046 = arith.cmpi slt, %rem3A_1042, %lt3A_1045 : i32
      %lt3A_1047 = arith.constant 0 : i32
      %lt3A_1048 = arith.cmpi slt, %select_n3A_1041, %lt3A_1047 : i32
      %ne3A_1049 = arith.xori %lt3A_1046, %lt3A_1048 : i1
      %and3A_1050 = arith.andi %ne3A_1049, %ne3A_1044 : i1
      %add3A_1051 = arith.addi %rem3A_1042, %select_n3A_1041 : i32
      %select_n3A_1052 = arith.select %and3A_1050, %add3A_1051, %rem3A_1042 : i32
      %mul3A_1053 = arith.constant 2048 : i32
      %mul3A_1054 = arith.muli %select_n3A_1052, %mul3A_1053 : i32
      %dma_start3A_1055 = tpu.memref_slice %arg2[%mul3A_1036, %mul3A_1054] : memref<4096x4096xi32, #tpu.memory_space<hbm>> -> memref<8x2048xi32, #tpu.memory_space<hbm>>
      %dma_start3A_1056 = tpu.memref_slice %arg2[%mul3A_1036, %mul3A_1054] : memref<4096x4096xi32, #tpu.memory_space<hbm>> -> memref<8x2048xi32, #tpu.memory_space<hbm>>
      tpu.enqueue_dma source(%dma_start3A_1056 : memref<8x2048xi32, #tpu.memory_space<hbm>>) target(%arg10 : memref<8x2048xi32, #tpu.memory_space<vmem>>) target_semaphore(%arg16 : memref<!tpu.dma_semaphore, #tpu.memory_space<semaphore_mem>>)
      %dma_start3A_1057 = tpu.memref_slice %arg3[%mul3A_1036, %mul3A_1054] : memref<4096x4096xf32, #tpu.memory_space<hbm>> -> memref<8x2048xf32, #tpu.memory_space<hbm>>
      %dma_start3A_1058 = tpu.memref_slice %arg3[%mul3A_1036, %mul3A_1054] : memref<4096x4096xf32, #tpu.memory_space<hbm>> -> memref<8x2048xf32, #tpu.memory_space<hbm>>
      tpu.enqueue_dma source(%dma_start3A_1058 : memref<8x2048xf32, #tpu.memory_space<hbm>>) target(%arg12 : memref<8x2048xf32, #tpu.memory_space<vmem>>) target_semaphore(%arg18 : memref<!tpu.dma_semaphore, #tpu.memory_space<semaphore_mem>>)
      %mul3A_1059 = arith.constant 2 : i32
      %mul3A_1060 = arith.muli %scan3A_847, %mul3A_1059 : i32
      %add3A_1061 = arith.constant 1 : i32
      %add3A_1062 = arith.addi %mul3A_1060, %add3A_1061 : i32
      %mul3A_1063 = arith.constant 32 : i32
      %mul3A_1064 = arith.muli %add3A, %mul3A_1063 : i32
      %add3A_1065 = arith.addi %mul3A_1064, %add3A_1062 : i32
      %jit3A_1066 = arith.constant 2 : i32
      %div3A_1067 = arith.divsi %add3A_1065, %jit3A_1066 : i32
      %sign3A_1068 = arith.constant 0 : i32
      %sign3A_1069 = arith.cmpi sgt, %add3A_1065, %sign3A_1068 : i32
      %sign3A_1070 = arith.extui %sign3A_1069 : i1 to i32
      %sign3A_1071 = arith.constant 0 : i32
      %sign3A_1072 = arith.cmpi slt, %add3A_1065, %sign3A_1071 : i32
      %sign3A_1073 = arith.extui %sign3A_1072 : i1 to i32
      %sign3A_1074 = arith.subi %sign3A_1070, %sign3A_1073 : i32
      %sign3A_1075 = arith.constant 0 : i32
      %sign3A_1076 = arith.cmpi sgt, %jit3A_1066, %sign3A_1075 : i32
      %sign3A_1077 = arith.extui %sign3A_1076 : i1 to i32
      %sign3A_1078 = arith.constant 0 : i32
      %sign3A_1079 = arith.cmpi slt, %jit3A_1066, %sign3A_1078 : i32
      %sign3A_1080 = arith.extui %sign3A_1079 : i1 to i32
      %sign3A_1081 = arith.subi %sign3A_1077, %sign3A_1080 : i32
      %ne3A_1082 = arith.cmpi ne, %sign3A_1074, %sign3A_1081 : i32
      %rem3A_1083 = arith.remsi %add3A_1065, %jit3A_1066 : i32
      %ne3A_1084 = arith.constant 0 : i32
      %ne3A_1085 = arith.cmpi ne, %rem3A_1083, %ne3A_1084 : i32
      %and3A_1086 = arith.andi %ne3A_1082, %ne3A_1085 : i1
      %sub3A_1087 = arith.constant 1 : i32
      %sub3A_1088 = arith.subi %div3A_1067, %sub3A_1087 : i32
      %select_n3A_1089 = arith.select %and3A_1086, %sub3A_1088, %div3A_1067 : i32
      %mul3A_1090 = arith.constant 8 : i32
      %mul3A_1091 = arith.muli %select_n3A_1089, %mul3A_1090 : i32
      %jit3A_1092 = arith.constant 2 : i32
      %eq3A_1093 = arith.constant 0 : i32
      %eq3A_1094 = arith.cmpi eq, %jit3A_1092, %eq3A_1093 : i32
      %jit3A_1095 = arith.constant 1 : i32
      %select_n3A_1096 = arith.select %eq3A_1094, %jit3A_1095, %jit3A_1092 : i32
      %rem3A_1097 = arith.remsi %add3A_1065, %select_n3A_1096 : i32
      %ne3A_1098 = arith.constant 0 : i32
      %ne3A_1099 = arith.cmpi ne, %rem3A_1097, %ne3A_1098 : i32
      %lt3A_1100 = arith.constant 0 : i32
      %lt3A_1101 = arith.cmpi slt, %rem3A_1097, %lt3A_1100 : i32
      %lt3A_1102 = arith.constant 0 : i32
      %lt3A_1103 = arith.cmpi slt, %select_n3A_1096, %lt3A_1102 : i32
      %ne3A_1104 = arith.xori %lt3A_1101, %lt3A_1103 : i1
      %and3A_1105 = arith.andi %ne3A_1104, %ne3A_1099 : i1
      %add3A_1106 = arith.addi %rem3A_1097, %select_n3A_1096 : i32
      %select_n3A_1107 = arith.select %and3A_1105, %add3A_1106, %rem3A_1097 : i32
      %mul3A_1108 = arith.constant 2048 : i32
      %mul3A_1109 = arith.muli %select_n3A_1107, %mul3A_1108 : i32
      %dma_wait3A_1110 = tpu.memref_slice %arg2[%mul3A_1091, %mul3A_1109] : memref<4096x4096xi32, #tpu.memory_space<hbm>> -> memref<8x2048xi32, #tpu.memory_space<hbm>>
      %dma_wait3A_1111 = tpu.memref_slice %arg2[%mul3A_1091, %mul3A_1109] : memref<4096x4096xi32, #tpu.memory_space<hbm>> -> memref<8x2048xi32, #tpu.memory_space<hbm>>
      tpu.wait_dma2 semaphore(%arg17 : memref<!tpu.dma_semaphore, #tpu.memory_space<semaphore_mem>>) src(%dma_wait3A_1111 : memref<8x2048xi32, #tpu.memory_space<hbm>>) dst(%arg11 : memref<8x2048xi32, #tpu.memory_space<vmem>>)
      %dma_wait3A_1112 = tpu.memref_slice %arg3[%mul3A_1091, %mul3A_1109] : memref<4096x4096xf32, #tpu.memory_space<hbm>> -> memref<8x2048xf32, #tpu.memory_space<hbm>>
      %dma_wait3A_1113 = tpu.memref_slice %arg3[%mul3A_1091, %mul3A_1109] : memref<4096x4096xf32, #tpu.memory_space<hbm>> -> memref<8x2048xf32, #tpu.memory_space<hbm>>
      tpu.wait_dma2 semaphore(%arg19 : memref<!tpu.dma_semaphore, #tpu.memory_space<semaphore_mem>>) src(%dma_wait3A_1113 : memref<8x2048xf32, #tpu.memory_space<hbm>>) dst(%arg13 : memref<8x2048xf32, #tpu.memory_space<vmem>>)
      %sub3A_1114 = arith.constant 2 : i32
      %sub3A_1115 = arith.subi %add3A_1062, %sub3A_1114 : i32
      %mul3A_1116 = arith.constant 32 : i32
      %mul3A_1117 = arith.muli %add3A, %mul3A_1116 : i32
      %add3A_1118 = arith.addi %mul3A_1117, %sub3A_1115 : i32
      %jit3A_1119 = arith.constant 2 : i32
      %div3A_1120 = arith.divsi %add3A_1118, %jit3A_1119 : i32
      %sign3A_1121 = arith.constant 0 : i32
      %sign3A_1122 = arith.cmpi sgt, %add3A_1118, %sign3A_1121 : i32
      %sign3A_1123 = arith.extui %sign3A_1122 : i1 to i32
      %sign3A_1124 = arith.constant 0 : i32
      %sign3A_1125 = arith.cmpi slt, %add3A_1118, %sign3A_1124 : i32
      %sign3A_1126 = arith.extui %sign3A_1125 : i1 to i32
      %sign3A_1127 = arith.subi %sign3A_1123, %sign3A_1126 : i32
      %sign3A_1128 = arith.constant 0 : i32
      %sign3A_1129 = arith.cmpi sgt, %jit3A_1119, %sign3A_1128 : i32
      %sign3A_1130 = arith.extui %sign3A_1129 : i1 to i32
      %sign3A_1131 = arith.constant 0 : i32
      %sign3A_1132 = arith.cmpi slt, %jit3A_1119, %sign3A_1131 : i32
      %sign3A_1133 = arith.extui %sign3A_1132 : i1 to i32
      %sign3A_1134 = arith.subi %sign3A_1130, %sign3A_1133 : i32
      %ne3A_1135 = arith.cmpi ne, %sign3A_1127, %sign3A_1134 : i32
      %rem3A_1136 = arith.remsi %add3A_1118, %jit3A_1119 : i32
      %ne3A_1137 = arith.constant 0 : i32
      %ne3A_1138 = arith.cmpi ne, %rem3A_1136, %ne3A_1137 : i32
      %and3A_1139 = arith.andi %ne3A_1135, %ne3A_1138 : i1
      %sub3A_1140 = arith.constant 1 : i32
      %sub3A_1141 = arith.subi %div3A_1120, %sub3A_1140 : i32
      %select_n3A_1142 = arith.select %and3A_1139, %sub3A_1141, %div3A_1120 : i32
      %mul3A_1143 = arith.constant 8 : i32
      %mul3A_1144 = arith.muli %select_n3A_1142, %mul3A_1143 : i32
      %jit3A_1145 = arith.constant 2 : i32
      %eq3A_1146 = arith.constant 0 : i32
      %eq3A_1147 = arith.cmpi eq, %jit3A_1145, %eq3A_1146 : i32
      %jit3A_1148 = arith.constant 1 : i32
      %select_n3A_1149 = arith.select %eq3A_1147, %jit3A_1148, %jit3A_1145 : i32
      %rem3A_1150 = arith.remsi %add3A_1118, %select_n3A_1149 : i32
      %ne3A_1151 = arith.constant 0 : i32
      %ne3A_1152 = arith.cmpi ne, %rem3A_1150, %ne3A_1151 : i32
      %lt3A_1153 = arith.constant 0 : i32
      %lt3A_1154 = arith.cmpi slt, %rem3A_1150, %lt3A_1153 : i32
      %lt3A_1155 = arith.constant 0 : i32
      %lt3A_1156 = arith.cmpi slt, %select_n3A_1149, %lt3A_1155 : i32
      %ne3A_1157 = arith.xori %lt3A_1154, %lt3A_1156 : i1
      %and3A_1158 = arith.andi %ne3A_1157, %ne3A_1152 : i1
      %add3A_1159 = arith.addi %rem3A_1150, %select_n3A_1149 : i32
      %select_n3A_1160 = arith.select %and3A_1158, %add3A_1159, %rem3A_1150 : i32
      %mul3A_1161 = arith.constant 2048 : i32
      %mul3A_1162 = arith.muli %select_n3A_1160, %mul3A_1161 : i32
      %dma_wait3A_1163 = tpu.memref_slice %arg6[%mul3A_1144, %mul3A_1162] : memref<4096x4096xf32, #tpu.memory_space<hbm>> -> memref<8x2048xf32, #tpu.memory_space<hbm>>
      %dma_wait3A_1164 = tpu.memref_slice %arg6[%mul3A_1144, %mul3A_1162] : memref<4096x4096xf32, #tpu.memory_space<hbm>> -> memref<8x2048xf32, #tpu.memory_space<hbm>>
      tpu.wait_dma2 semaphore(%arg21 : memref<!tpu.dma_semaphore, #tpu.memory_space<semaphore_mem>>) src(%arg15 : memref<8x2048xf32, #tpu.memory_space<vmem>>) dst(%dma_wait3A_1164 : memref<8x2048xf32, #tpu.memory_space<hbm>>)
      %parallel_loop3A_1165 = arith.constant 0 : i32
      %parallel_loop3A_1166 = arith.constant 16384 : i32
      %parallel_loop3A_1167 = arith.constant 16 : i32
      scf.for %parallel_loop3A_1270 = %parallel_loop3A_1165 to %parallel_loop3A_1166 step %parallel_loop3A_1167  : i32 {
        %parallel_loop3A_1271 = arith.constant 11 : i32
        %parallel_loop3A_1272 = arith.shrui %parallel_loop3A_1270, %parallel_loop3A_1271 : i32
        %parallel_loop3A_1273 = arith.constant 2047 : i32
        %parallel_loop3A_1274 = arith.andi %parallel_loop3A_1270, %parallel_loop3A_1273 : i32
        %parallel_loop3A_1275 = arith.index_cast %parallel_loop3A_1272 : i32 to index
        %parallel_loop3A_1276 = arith.index_cast %parallel_loop3A_1274 : i32 to index
        %parallel_loop3A_1277 = tpu.vector_load %arg11[%parallel_loop3A_1275, %parallel_loop3A_1276] {strides = array<i32>} : memref<8x2048xi32, #tpu.memory_space<vmem>>, vector<16xi32>,
        %parallel_loop3A_1278 = tpu.vector_load_idx %arg7[%parallel_loop3A_1277] : memref<64xf32, #tpu.memory_space<vmem>>[vector<16xi32>], vector<16xf32>,
        %parallel_loop3A_1279 = arith.index_cast %parallel_loop3A_1272 : i32 to index
        %parallel_loop3A_1280 = arith.index_cast %parallel_loop3A_1274 : i32 to index
        %parallel_loop3A_1281 = tpu.vector_load %arg13[%parallel_loop3A_1279, %parallel_loop3A_1280] {strides = array<i32>} : memref<8x2048xf32, #tpu.memory_space<vmem>>, vector<16xf32>,
        %parallel_loop3A_1282 = arith.mulf %parallel_loop3A_1281, %parallel_loop3A_1278 : vector<16xf32>
        %parallel_loop3A_1283 = arith.index_cast %parallel_loop3A_1272 : i32 to index
        %parallel_loop3A_1284 = arith.index_cast %parallel_loop3A_1274 : i32 to index
        %parallel_loop3A_1285 = tpu.vector_load %arg15[%parallel_loop3A_1283, %parallel_loop3A_1284] {strides = array<i32>} : memref<8x2048xf32, #tpu.memory_space<vmem>>, vector<16xf32>,
        tpu.vector_store %arg15[%parallel_loop3A_1283, %parallel_loop3A_1284], %parallel_loop3A_1282 {strides = array<i32>} : memref<8x2048xf32, #tpu.memory_space<vmem>>, vector<16xf32>,
      } {sc.loop_unroll_factor = 8 : i64, sc.parallel_access}
      %mul3A_1168 = arith.constant 32 : i32
      %mul3A_1169 = arith.muli %add3A, %mul3A_1168 : i32
      %add3A_1170 = arith.addi %mul3A_1169, %add3A_1062 : i32
      %jit3A_1171 = arith.constant 2 : i32
      %div3A_1172 = arith.divsi %add3A_1170, %jit3A_1171 : i32
      %sign3A_1173 = arith.constant 0 : i32
      %sign3A_1174 = arith.cmpi sgt, %add3A_1170, %sign3A_1173 : i32
      %sign3A_1175 = arith.extui %sign3A_1174 : i1 to i32
      %sign3A_1176 = arith.constant 0 : i32
      %sign3A_1177 = arith.cmpi slt, %add3A_1170, %sign3A_1176 : i32
      %sign3A_1178 = arith.extui %sign3A_1177 : i1 to i32
      %sign3A_1179 = arith.subi %sign3A_1175, %sign3A_1178 : i32
      %sign3A_1180 = arith.constant 0 : i32
      %sign3A_1181 = arith.cmpi sgt, %jit3A_1171, %sign3A_1180 : i32
      %sign3A_1182 = arith.extui %sign3A_1181 : i1 to i32
      %sign3A_1183 = arith.constant 0 : i32
      %sign3A_1184 = arith.cmpi slt, %jit3A_1171, %sign3A_1183 : i32
      %sign3A_1185 = arith.extui %sign3A_1184 : i1 to i32
      %sign3A_1186 = arith.subi %sign3A_1182, %sign3A_1185 : i32
      %ne3A_1187 = arith.cmpi ne, %sign3A_1179, %sign3A_1186 : i32
      %rem3A_1188 = arith.remsi %add3A_1170, %jit3A_1171 : i32
      %ne3A_1189 = arith.constant 0 : i32
      %ne3A_1190 = arith.cmpi ne, %rem3A_1188, %ne3A_1189 : i32
      %and3A_1191 = arith.andi %ne3A_1187, %ne3A_1190 : i1
      %sub3A_1192 = arith.constant 1 : i32
      %sub3A_1193 = arith.subi %div3A_1172, %sub3A_1192 : i32
      %select_n3A_1194 = arith.select %and3A_1191, %sub3A_1193, %div3A_1172 : i32
      %mul3A_1195 = arith.constant 8 : i32
      %mul3A_1196 = arith.muli %select_n3A_1194, %mul3A_1195 : i32
      %jit3A_1197 = arith.constant 2 : i32
      %eq3A_1198 = arith.constant 0 : i32
      %eq3A_1199 = arith.cmpi eq, %jit3A_1197, %eq3A_1198 : i32
      %jit3A_1200 = arith.constant 1 : i32
      %select_n3A_1201 = arith.select %eq3A_1199, %jit3A_1200, %jit3A_1197 : i32
      %rem3A_1202 = arith.remsi %add3A_1170, %select_n3A_1201 : i32
      %ne3A_1203 = arith.constant 0 : i32
      %ne3A_1204 = arith.cmpi ne, %rem3A_1202, %ne3A_1203 : i32
      %lt3A_1205 = arith.constant 0 : i32
      %lt3A_1206 = arith.cmpi slt, %rem3A_1202, %lt3A_1205 : i32
      %lt3A_1207 = arith.constant 0 : i32
      %lt3A_1208 = arith.cmpi slt, %select_n3A_1201, %lt3A_1207 : i32
      %ne3A_1209 = arith.xori %lt3A_1206, %lt3A_1208 : i1
      %and3A_1210 = arith.andi %ne3A_1209, %ne3A_1204 : i1
      %add3A_1211 = arith.addi %rem3A_1202, %select_n3A_1201 : i32
      %select_n3A_1212 = arith.select %and3A_1210, %add3A_1211, %rem3A_1202 : i32
      %mul3A_1213 = arith.constant 2048 : i32
      %mul3A_1214 = arith.muli %select_n3A_1212, %mul3A_1213 : i32
      %dma_start3A_1215 = tpu.memref_slice %arg6[%mul3A_1196, %mul3A_1214] : memref<4096x4096xf32, #tpu.memory_space<hbm>> -> memref<8x2048xf32, #tpu.memory_space<hbm>>
      %dma_start3A_1216 = tpu.memref_slice %arg6[%mul3A_1196, %mul3A_1214] : memref<4096x4096xf32, #tpu.memory_space<hbm>> -> memref<8x2048xf32, #tpu.memory_space<hbm>>
      tpu.enqueue_dma source(%arg15 : memref<8x2048xf32, #tpu.memory_space<vmem>>) target(%dma_start3A_1216 : memref<8x2048xf32, #tpu.memory_space<hbm>>) target_semaphore(%arg21 : memref<!tpu.dma_semaphore, #tpu.memory_space<semaphore_mem>>)
      %add3A_1217 = arith.constant 2 : i32
      %add3A_1218 = arith.addi %add3A_1062, %add3A_1217 : i32
      %mul3A_1219 = arith.constant 32 : i32
      %mul3A_1220 = arith.muli %add3A, %mul3A_1219 : i32
      %add3A_1221 = arith.addi %mul3A_1220, %add3A_1218 : i32
      %jit3A_1222 = arith.constant 2 : i32
      %div3A_1223 = arith.divsi %add3A_1221, %jit3A_1222 : i32
      %sign3A_1224 = arith.constant 0 : i32
      %sign3A_1225 = arith.cmpi sgt, %add3A_1221, %sign3A_1224 : i32
      %sign3A_1226 = arith.extui %sign3A_1225 : i1 to i32
      %sign3A_1227 = arith.constant 0 : i32
      %sign3A_1228 = arith.cmpi slt, %add3A_1221, %sign3A_1227 : i32
      %sign3A_1229 = arith.extui %sign3A_1228 : i1 to i32
      %sign3A_1230 = arith.subi %sign3A_1226, %sign3A_1229 : i32
      %sign3A_1231 = arith.constant 0 : i32
      %sign3A_1232 = arith.cmpi sgt, %jit3A_1222, %sign3A_1231 : i32
      %sign3A_1233 = arith.extui %sign3A_1232 : i1 to i32
      %sign3A_1234 = arith.constant 0 : i32
      %sign3A_1235 = arith.cmpi slt, %jit3A_1222, %sign3A_1234 : i32
      %sign3A_1236 = arith.extui %sign3A_1235 : i1 to i32
      %sign3A_1237 = arith.subi %sign3A_1233, %sign3A_1236 : i32
      %ne3A_1238 = arith.cmpi ne, %sign3A_1230, %sign3A_1237 : i32
      %rem3A_1239 = arith.remsi %add3A_1221, %jit3A_1222 : i32
      %ne3A_1240 = arith.constant 0 : i32
      %ne3A_1241 = arith.cmpi ne, %rem3A_1239, %ne3A_1240 : i32
      %and3A_1242 = arith.andi %ne3A_1238, %ne3A_1241 : i1
      %sub3A_1243 = arith.constant 1 : i32
      %sub3A_1244 = arith.subi %div3A_1223, %sub3A_1243 : i32
      %select_n3A_1245 = arith.select %and3A_1242, %sub3A_1244, %div3A_1223 : i32
      %mul3A_1246 = arith.constant 8 : i32
      %mul3A_1247 = arith.muli %select_n3A_1245, %mul3A_1246 : i32
      %jit3A_1248 = arith.constant 2 : i32
      %eq3A_1249 = arith.constant 0 : i32
      %eq3A_1250 = arith.cmpi eq, %jit3A_1248, %eq3A_1249 : i32
      %jit3A_1251 = arith.constant 1 : i32
      %select_n3A_1252 = arith.select %eq3A_1250, %jit3A_1251, %jit3A_1248 : i32
      %rem3A_1253 = arith.remsi %add3A_1221, %select_n3A_1252 : i32
      %ne3A_1254 = arith.constant 0 : i32
      %ne3A_1255 = arith.cmpi ne, %rem3A_1253, %ne3A_1254 : i32
      %lt3A_1256 = arith.constant 0 : i32
      %lt3A_1257 = arith.cmpi slt, %rem3A_1253, %lt3A_1256 : i32
      %lt3A_1258 = arith.constant 0 : i32
      %lt3A_1259 = arith.cmpi slt, %select_n3A_1252, %lt3A_1258 : i32
      %ne3A_1260 = arith.xori %lt3A_1257, %lt3A_1259 : i1
      %and3A_1261 = arith.andi %ne3A_1260, %ne3A_1255 : i1
      %add3A_1262 = arith.addi %rem3A_1253, %select_n3A_1252 : i32
      %select_n3A_1263 = arith.select %and3A_1261, %add3A_1262, %rem3A_1253 : i32
      %mul3A_1264 = arith.constant 2048 : i32
      %mul3A_1265 = arith.muli %select_n3A_1263, %mul3A_1264 : i32
      %dma_start3A_1266 = tpu.memref_slice %arg2[%mul3A_1247, %mul3A_1265] : memref<4096x4096xi32, #tpu.memory_space<hbm>> -> memref<8x2048xi32, #tpu.memory_space<hbm>>
      %dma_start3A_1267 = tpu.memref_slice %arg2[%mul3A_1247, %mul3A_1265] : memref<4096x4096xi32, #tpu.memory_space<hbm>> -> memref<8x2048xi32, #tpu.memory_space<hbm>>
      tpu.enqueue_dma source(%dma_start3A_1267 : memref<8x2048xi32, #tpu.memory_space<hbm>>) target(%arg11 : memref<8x2048xi32, #tpu.memory_space<vmem>>) target_semaphore(%arg17 : memref<!tpu.dma_semaphore, #tpu.memory_space<semaphore_mem>>)
      %dma_start3A_1268 = tpu.memref_slice %arg3[%mul3A_1247, %mul3A_1265] : memref<4096x4096xf32, #tpu.memory_space<hbm>> -> memref<8x2048xf32, #tpu.memory_space<hbm>>
      %dma_start3A_1269 = tpu.memref_slice %arg3[%mul3A_1247, %mul3A_1265] : memref<4096x4096xf32, #tpu.memory_space<hbm>> -> memref<8x2048xf32, #tpu.memory_space<hbm>>
      tpu.enqueue_dma source(%dma_start3A_1269 : memref<8x2048xf32, #tpu.memory_space<hbm>>) target(%arg13 : memref<8x2048xf32, #tpu.memory_space<vmem>>) target_semaphore(%arg19 : memref<!tpu.dma_semaphore, #tpu.memory_space<semaphore_mem>>)
    }
    %scan3A_436 = arith.constant 14 : i32
    %mul3A_437 = arith.constant 32 : i32
    %mul3A_438 = arith.muli %add3A, %mul3A_437 : i32
    %add3A_439 = arith.constant 30 : i32
    %add3A_440 = arith.addi %mul3A_438, %add3A_439 : i32
    %jit3A_441 = arith.constant 2 : i32
    %div3A_442 = arith.divsi %add3A_440, %jit3A_441 : i32
    %sign3A_443 = arith.constant 0 : i32
    %sign3A_444 = arith.cmpi sgt, %add3A_440, %sign3A_443 : i32
    %sign3A_445 = arith.extui %sign3A_444 : i1 to i32
    %sign3A_446 = arith.constant 0 : i32
    %sign3A_447 = arith.cmpi slt, %add3A_440, %sign3A_446 : i32
    %sign3A_448 = arith.extui %sign3A_447 : i1 to i32
    %sign3A_449 = arith.subi %sign3A_445, %sign3A_448 : i32
    %sign3A_450 = arith.constant 0 : i32
    %sign3A_451 = arith.cmpi sgt, %jit3A_441, %sign3A_450 : i32
    %sign3A_452 = arith.extui %sign3A_451 : i1 to i32
    %sign3A_453 = arith.constant 0 : i32
    %sign3A_454 = arith.cmpi slt, %jit3A_441, %sign3A_453 : i32
    %sign3A_455 = arith.extui %sign3A_454 : i1 to i32
    %sign3A_456 = arith.subi %sign3A_452, %sign3A_455 : i32
    %ne3A_457 = arith.cmpi ne, %sign3A_449, %sign3A_456 : i32
    %rem3A_458 = arith.remsi %add3A_440, %jit3A_441 : i32
    %ne3A_459 = arith.constant 0 : i32
    %ne3A_460 = arith.cmpi ne, %rem3A_458, %ne3A_459 : i32
    %and3A_461 = arith.andi %ne3A_457, %ne3A_460 : i1
    %sub3A_462 = arith.constant 1 : i32
    %sub3A_463 = arith.subi %div3A_442, %sub3A_462 : i32
    %select_n3A_464 = arith.select %and3A_461, %sub3A_463, %div3A_442 : i32
    %mul3A_465 = arith.constant 8 : i32
    %mul3A_466 = arith.muli %select_n3A_464, %mul3A_465 : i32
    %jit3A_467 = arith.constant 2 : i32
    %eq3A_468 = arith.constant 0 : i32
    %eq3A_469 = arith.cmpi eq, %jit3A_467, %eq3A_468 : i32
    %jit3A_470 = arith.constant 1 : i32
    %select_n3A_471 = arith.select %eq3A_469, %jit3A_470, %jit3A_467 : i32
    %rem3A_472 = arith.remsi %add3A_440, %select_n3A_471 : i32
    %ne3A_473 = arith.constant 0 : i32
    %ne3A_474 = arith.cmpi ne, %rem3A_472, %ne3A_473 : i32
    %lt3A_475 = arith.constant 0 : i32
    %lt3A_476 = arith.cmpi slt, %rem3A_472, %lt3A_475 : i32
    %lt3A_477 = arith.constant 0 : i32
    %lt3A_478 = arith.cmpi slt, %select_n3A_471, %lt3A_477 : i32
    %ne3A_479 = arith.xori %lt3A_476, %lt3A_478 : i1
    %and3A_480 = arith.andi %ne3A_479, %ne3A_474 : i1
    %add3A_481 = arith.addi %rem3A_472, %select_n3A_471 : i32
    %select_n3A_482 = arith.select %and3A_480, %add3A_481, %rem3A_472 : i32
    %mul3A_483 = arith.constant 2048 : i32
    %mul3A_484 = arith.muli %select_n3A_482, %mul3A_483 : i32
    %dma_wait3A_485 = tpu.memref_slice %arg2[%mul3A_466, %mul3A_484] : memref<4096x4096xi32, #tpu.memory_space<hbm>> -> memref<8x2048xi32, #tpu.memory_space<hbm>>
    %dma_wait3A_486 = tpu.memref_slice %arg2[%mul3A_466, %mul3A_484] : memref<4096x4096xi32, #tpu.memory_space<hbm>> -> memref<8x2048xi32, #tpu.memory_space<hbm>>
    tpu.wait_dma2 semaphore(%arg16 : memref<!tpu.dma_semaphore, #tpu.memory_space<semaphore_mem>>) src(%dma_wait3A_486 : memref<8x2048xi32, #tpu.memory_space<hbm>>) dst(%arg10 : memref<8x2048xi32, #tpu.memory_space<vmem>>)
    %dma_wait3A_487 = tpu.memref_slice %arg3[%mul3A_466, %mul3A_484] : memref<4096x4096xf32, #tpu.memory_space<hbm>> -> memref<8x2048xf32, #tpu.memory_space<hbm>>
    %dma_wait3A_488 = tpu.memref_slice %arg3[%mul3A_466, %mul3A_484] : memref<4096x4096xf32, #tpu.memory_space<hbm>> -> memref<8x2048xf32, #tpu.memory_space<hbm>>
    tpu.wait_dma2 semaphore(%arg18 : memref<!tpu.dma_semaphore, #tpu.memory_space<semaphore_mem>>) src(%dma_wait3A_488 : memref<8x2048xf32, #tpu.memory_space<hbm>>) dst(%arg12 : memref<8x2048xf32, #tpu.memory_space<vmem>>)
    %mul3A_489 = arith.constant 32 : i32
    %mul3A_490 = arith.muli %add3A, %mul3A_489 : i32
    %add3A_491 = arith.constant 28 : i32
    %add3A_492 = arith.addi %mul3A_490, %add3A_491 : i32
    %jit3A_493 = arith.constant 2 : i32
    %div3A_494 = arith.divsi %add3A_492, %jit3A_493 : i32
    %sign3A_495 = arith.constant 0 : i32
    %sign3A_496 = arith.cmpi sgt, %add3A_492, %sign3A_495 : i32
    %sign3A_497 = arith.extui %sign3A_496 : i1 to i32
    %sign3A_498 = arith.constant 0 : i32
    %sign3A_499 = arith.cmpi slt, %add3A_492, %sign3A_498 : i32
    %sign3A_500 = arith.extui %sign3A_499 : i1 to i32
    %sign3A_501 = arith.subi %sign3A_497, %sign3A_500 : i32
    %sign3A_502 = arith.constant 0 : i32
    %sign3A_503 = arith.cmpi sgt, %jit3A_493, %sign3A_502 : i32
    %sign3A_504 = arith.extui %sign3A_503 : i1 to i32
    %sign3A_505 = arith.constant 0 : i32
    %sign3A_506 = arith.cmpi slt, %jit3A_493, %sign3A_505 : i32
    %sign3A_507 = arith.extui %sign3A_506 : i1 to i32
    %sign3A_508 = arith.subi %sign3A_504, %sign3A_507 : i32
    %ne3A_509 = arith.cmpi ne, %sign3A_501, %sign3A_508 : i32
    %rem3A_510 = arith.remsi %add3A_492, %jit3A_493 : i32
    %ne3A_511 = arith.constant 0 : i32
    %ne3A_512 = arith.cmpi ne, %rem3A_510, %ne3A_511 : i32
    %and3A_513 = arith.andi %ne3A_509, %ne3A_512 : i1
    %sub3A_514 = arith.constant 1 : i32
    %sub3A_515 = arith.subi %div3A_494, %sub3A_514 : i32
    %select_n3A_516 = arith.select %and3A_513, %sub3A_515, %div3A_494 : i32
    %mul3A_517 = arith.constant 8 : i32
    %mul3A_518 = arith.muli %select_n3A_516, %mul3A_517 : i32
    %jit3A_519 = arith.constant 2 : i32
    %eq3A_520 = arith.constant 0 : i32
    %eq3A_521 = arith.cmpi eq, %jit3A_519, %eq3A_520 : i32
    %jit3A_522 = arith.constant 1 : i32
    %select_n3A_523 = arith.select %eq3A_521, %jit3A_522, %jit3A_519 : i32
    %rem3A_524 = arith.remsi %add3A_492, %select_n3A_523 : i32
    %ne3A_525 = arith.constant 0 : i32
    %ne3A_526 = arith.cmpi ne, %rem3A_524, %ne3A_525 : i32
    %lt3A_527 = arith.constant 0 : i32
    %lt3A_528 = arith.cmpi slt, %rem3A_524, %lt3A_527 : i32
    %lt3A_529 = arith.constant 0 : i32
    %lt3A_530 = arith.cmpi slt, %select_n3A_523, %lt3A_529 : i32
    %ne3A_531 = arith.xori %lt3A_528, %lt3A_530 : i1
    %and3A_532 = arith.andi %ne3A_531, %ne3A_526 : i1
    %add3A_533 = arith.addi %rem3A_524, %select_n3A_523 : i32
    %select_n3A_534 = arith.select %and3A_532, %add3A_533, %rem3A_524 : i32
    %mul3A_535 = arith.constant 2048 : i32
    %mul3A_536 = arith.muli %select_n3A_534, %mul3A_535 : i32
    %dma_wait3A_537 = tpu.memref_slice %arg6[%mul3A_518, %mul3A_536] : memref<4096x4096xf32, #tpu.memory_space<hbm>> -> memref<8x2048xf32, #tpu.memory_space<hbm>>
    %dma_wait3A_538 = tpu.memref_slice %arg6[%mul3A_518, %mul3A_536] : memref<4096x4096xf32, #tpu.memory_space<hbm>> -> memref<8x2048xf32, #tpu.memory_space<hbm>>
    tpu.wait_dma2 semaphore(%arg20 : memref<!tpu.dma_semaphore, #tpu.memory_space<semaphore_mem>>) src(%arg14 : memref<8x2048xf32, #tpu.memory_space<vmem>>) dst(%dma_wait3A_538 : memref<8x2048xf32, #tpu.memory_space<hbm>>)
    %parallel_loop3A_539 = arith.constant 0 : i32
    %parallel_loop3A_540 = arith.constant 16384 : i32
    %parallel_loop3A_541 = arith.constant 16 : i32
    scf.for %parallel_loop3A_847 = %parallel_loop3A_539 to %parallel_loop3A_540 step %parallel_loop3A_541  : i32 {
      %parallel_loop3A_848 = arith.constant 11 : i32
      %parallel_loop3A_849 = arith.shrui %parallel_loop3A_847, %parallel_loop3A_848 : i32
      %parallel_loop3A_850 = arith.constant 2047 : i32
      %parallel_loop3A_851 = arith.andi %parallel_loop3A_847, %parallel_loop3A_850 : i32
      %parallel_loop3A_852 = arith.index_cast %parallel_loop3A_849 : i32 to index
      %parallel_loop3A_853 = arith.index_cast %parallel_loop3A_851 : i32 to index
      %parallel_loop3A_854 = tpu.vector_load %arg10[%parallel_loop3A_852, %parallel_loop3A_853] {strides = array<i32>} : memref<8x2048xi32, #tpu.memory_space<vmem>>, vector<16xi32>,
      %parallel_loop3A_855 = tpu.vector_load_idx %arg7[%parallel_loop3A_854] : memref<64xf32, #tpu.memory_space<vmem>>[vector<16xi32>], vector<16xf32>,
      %parallel_loop3A_856 = arith.index_cast %parallel_loop3A_849 : i32 to index
      %parallel_loop3A_857 = arith.index_cast %parallel_loop3A_851 : i32 to index
      %parallel_loop3A_858 = tpu.vector_load %arg12[%parallel_loop3A_856, %parallel_loop3A_857] {strides = array<i32>} : memref<8x2048xf32, #tpu.memory_space<vmem>>, vector<16xf32>,
      %parallel_loop3A_859 = arith.mulf %parallel_loop3A_858, %parallel_loop3A_855 : vector<16xf32>
      %parallel_loop3A_860 = arith.index_cast %parallel_loop3A_849 : i32 to index
      %parallel_loop3A_861 = arith.index_cast %parallel_loop3A_851 : i32 to index
      %parallel_loop3A_862 = tpu.vector_load %arg14[%parallel_loop3A_860, %parallel_loop3A_861] {strides = array<i32>} : memref<8x2048xf32, #tpu.memory_space<vmem>>, vector<16xf32>,
      tpu.vector_store %arg14[%parallel_loop3A_860, %parallel_loop3A_861], %parallel_loop3A_859 {strides = array<i32>} : memref<8x2048xf32, #tpu.memory_space<vmem>>, vector<16xf32>,
    } {sc.loop_unroll_factor = 8 : i64, sc.parallel_access}
    %mul3A_542 = arith.constant 32 : i32
    %mul3A_543 = arith.muli %add3A, %mul3A_542 : i32
    %add3A_544 = arith.constant 30 : i32
    %add3A_545 = arith.addi %mul3A_543, %add3A_544 : i32
    %jit3A_546 = arith.constant 2 : i32
    %div3A_547 = arith.divsi %add3A_545, %jit3A_546 : i32
    %sign3A_548 = arith.constant 0 : i32
    %sign3A_549 = arith.cmpi sgt, %add3A_545, %sign3A_548 : i32
    %sign3A_550 = arith.extui %sign3A_549 : i1 to i32
    %sign3A_551 = arith.constant 0 : i32
    %sign3A_552 = arith.cmpi slt, %add3A_545, %sign3A_551 : i32
    %sign3A_553 = arith.extui %sign3A_552 : i1 to i32
    %sign3A_554 = arith.subi %sign3A_550, %sign3A_553 : i32
    %sign3A_555 = arith.constant 0 : i32
    %sign3A_556 = arith.cmpi sgt, %jit3A_546, %sign3A_555 : i32
    %sign3A_557 = arith.extui %sign3A_556 : i1 to i32
    %sign3A_558 = arith.constant 0 : i32
    %sign3A_559 = arith.cmpi slt, %jit3A_546, %sign3A_558 : i32
    %sign3A_560 = arith.extui %sign3A_559 : i1 to i32
    %sign3A_561 = arith.subi %sign3A_557, %sign3A_560 : i32
    %ne3A_562 = arith.cmpi ne, %sign3A_554, %sign3A_561 : i32
    %rem3A_563 = arith.remsi %add3A_545, %jit3A_546 : i32
    %ne3A_564 = arith.constant 0 : i32
    %ne3A_565 = arith.cmpi ne, %rem3A_563, %ne3A_564 : i32
    %and3A_566 = arith.andi %ne3A_562, %ne3A_565 : i1
    %sub3A_567 = arith.constant 1 : i32
    %sub3A_568 = arith.subi %div3A_547, %sub3A_567 : i32
    %select_n3A_569 = arith.select %and3A_566, %sub3A_568, %div3A_547 : i32
    %mul3A_570 = arith.constant 8 : i32
    %mul3A_571 = arith.muli %select_n3A_569, %mul3A_570 : i32
    %jit3A_572 = arith.constant 2 : i32
    %eq3A_573 = arith.constant 0 : i32
    %eq3A_574 = arith.cmpi eq, %jit3A_572, %eq3A_573 : i32
    %jit3A_575 = arith.constant 1 : i32
    %select_n3A_576 = arith.select %eq3A_574, %jit3A_575, %jit3A_572 : i32
    %rem3A_577 = arith.remsi %add3A_545, %select_n3A_576 : i32
    %ne3A_578 = arith.constant 0 : i32
    %ne3A_579 = arith.cmpi ne, %rem3A_577, %ne3A_578 : i32
    %lt3A_580 = arith.constant 0 : i32
    %lt3A_581 = arith.cmpi slt, %rem3A_577, %lt3A_580 : i32
    %lt3A_582 = arith.constant 0 : i32
    %lt3A_583 = arith.cmpi slt, %select_n3A_576, %lt3A_582 : i32
    %ne3A_584 = arith.xori %lt3A_581, %lt3A_583 : i1
    %and3A_585 = arith.andi %ne3A_584, %ne3A_579 : i1
    %add3A_586 = arith.addi %rem3A_577, %select_n3A_576 : i32
    %select_n3A_587 = arith.select %and3A_585, %add3A_586, %rem3A_577 : i32
    %mul3A_588 = arith.constant 2048 : i32
    %mul3A_589 = arith.muli %select_n3A_587, %mul3A_588 : i32
    %dma_start3A_590 = tpu.memref_slice %arg6[%mul3A_571, %mul3A_589] : memref<4096x4096xf32, #tpu.memory_space<hbm>> -> memref<8x2048xf32, #tpu.memory_space<hbm>>
    %dma_start3A_591 = tpu.memref_slice %arg6[%mul3A_571, %mul3A_589] : memref<4096x4096xf32, #tpu.memory_space<hbm>> -> memref<8x2048xf32, #tpu.memory_space<hbm>>
    tpu.enqueue_dma source(%arg14 : memref<8x2048xf32, #tpu.memory_space<vmem>>) target(%dma_start3A_591 : memref<8x2048xf32, #tpu.memory_space<hbm>>) target_semaphore(%arg20 : memref<!tpu.dma_semaphore, #tpu.memory_space<semaphore_mem>>)
    %mul3A_592 = arith.constant 32 : i32
    %mul3A_593 = arith.muli %add3A, %mul3A_592 : i32
    %add3A_594 = arith.constant 31 : i32
    %add3A_595 = arith.addi %mul3A_593, %add3A_594 : i32
    %jit3A_596 = arith.constant 2 : i32
    %div3A_597 = arith.divsi %add3A_595, %jit3A_596 : i32
    %sign3A_598 = arith.constant 0 : i32
    %sign3A_599 = arith.cmpi sgt, %add3A_595, %sign3A_598 : i32
    %sign3A_600 = arith.extui %sign3A_599 : i1 to i32
    %sign3A_601 = arith.constant 0 : i32
    %sign3A_602 = arith.cmpi slt, %add3A_595, %sign3A_601 : i32
    %sign3A_603 = arith.extui %sign3A_602 : i1 to i32
    %sign3A_604 = arith.subi %sign3A_600, %sign3A_603 : i32
    %sign3A_605 = arith.constant 0 : i32
    %sign3A_606 = arith.cmpi sgt, %jit3A_596, %sign3A_605 : i32
    %sign3A_607 = arith.extui %sign3A_606 : i1 to i32
    %sign3A_608 = arith.constant 0 : i32
    %sign3A_609 = arith.cmpi slt, %jit3A_596, %sign3A_608 : i32
    %sign3A_610 = arith.extui %sign3A_609 : i1 to i32
    %sign3A_611 = arith.subi %sign3A_607, %sign3A_610 : i32
    %ne3A_612 = arith.cmpi ne, %sign3A_604, %sign3A_611 : i32
    %rem3A_613 = arith.remsi %add3A_595, %jit3A_596 : i32
    %ne3A_614 = arith.constant 0 : i32
    %ne3A_615 = arith.cmpi ne, %rem3A_613, %ne3A_614 : i32
    %and3A_616 = arith.andi %ne3A_612, %ne3A_615 : i1
    %sub3A_617 = arith.constant 1 : i32
    %sub3A_618 = arith.subi %div3A_597, %sub3A_617 : i32
    %select_n3A_619 = arith.select %and3A_616, %sub3A_618, %div3A_597 : i32
    %mul3A_620 = arith.constant 8 : i32
    %mul3A_621 = arith.muli %select_n3A_619, %mul3A_620 : i32
    %jit3A_622 = arith.constant 2 : i32
    %eq3A_623 = arith.constant 0 : i32
    %eq3A_624 = arith.cmpi eq, %jit3A_622, %eq3A_623 : i32
    %jit3A_625 = arith.constant 1 : i32
    %select_n3A_626 = arith.select %eq3A_624, %jit3A_625, %jit3A_622 : i32
    %rem3A_627 = arith.remsi %add3A_595, %select_n3A_626 : i32
    %ne3A_628 = arith.constant 0 : i32
    %ne3A_629 = arith.cmpi ne, %rem3A_627, %ne3A_628 : i32
    %lt3A_630 = arith.constant 0 : i32
    %lt3A_631 = arith.cmpi slt, %rem3A_627, %lt3A_630 : i32
    %lt3A_632 = arith.constant 0 : i32
    %lt3A_633 = arith.cmpi slt, %select_n3A_626, %lt3A_632 : i32
    %ne3A_634 = arith.xori %lt3A_631, %lt3A_633 : i1
    %and3A_635 = arith.andi %ne3A_634, %ne3A_629 : i1
    %add3A_636 = arith.addi %rem3A_627, %select_n3A_626 : i32
    %select_n3A_637 = arith.select %and3A_635, %add3A_636, %rem3A_627 : i32
    %mul3A_638 = arith.constant 2048 : i32
    %mul3A_639 = arith.muli %select_n3A_637, %mul3A_638 : i32
    %dma_wait3A_640 = tpu.memref_slice %arg2[%mul3A_621, %mul3A_639] : memref<4096x4096xi32, #tpu.memory_space<hbm>> -> memref<8x2048xi32, #tpu.memory_space<hbm>>
    %dma_wait3A_641 = tpu.memref_slice %arg2[%mul3A_621, %mul3A_639] : memref<4096x4096xi32, #tpu.memory_space<hbm>> -> memref<8x2048xi32, #tpu.memory_space<hbm>>
    tpu.wait_dma2 semaphore(%arg17 : memref<!tpu.dma_semaphore, #tpu.memory_space<semaphore_mem>>) src(%dma_wait3A_641 : memref<8x2048xi32, #tpu.memory_space<hbm>>) dst(%arg11 : memref<8x2048xi32, #tpu.memory_space<vmem>>)
    %dma_wait3A_642 = tpu.memref_slice %arg3[%mul3A_621, %mul3A_639] : memref<4096x4096xf32, #tpu.memory_space<hbm>> -> memref<8x2048xf32, #tpu.memory_space<hbm>>
    %dma_wait3A_643 = tpu.memref_slice %arg3[%mul3A_621, %mul3A_639] : memref<4096x4096xf32, #tpu.memory_space<hbm>> -> memref<8x2048xf32, #tpu.memory_space<hbm>>
    tpu.wait_dma2 semaphore(%arg19 : memref<!tpu.dma_semaphore, #tpu.memory_space<semaphore_mem>>) src(%dma_wait3A_643 : memref<8x2048xf32, #tpu.memory_space<hbm>>) dst(%arg13 : memref<8x2048xf32, #tpu.memory_space<vmem>>)
    %mul3A_644 = arith.constant 32 : i32
    %mul3A_645 = arith.muli %add3A, %mul3A_644 : i32
    %add3A_646 = arith.constant 29 : i32
    %add3A_647 = arith.addi %mul3A_645, %add3A_646 : i32
    %jit3A_648 = arith.constant 2 : i32
    %div3A_649 = arith.divsi %add3A_647, %jit3A_648 : i32
    %sign3A_650 = arith.constant 0 : i32
    %sign3A_651 = arith.cmpi sgt, %add3A_647, %sign3A_650 : i32
    %sign3A_652 = arith.extui %sign3A_651 : i1 to i32
    %sign3A_653 = arith.constant 0 : i32
    %sign3A_654 = arith.cmpi slt, %add3A_647, %sign3A_653 : i32
    %sign3A_655 = arith.extui %sign3A_654 : i1 to i32
    %sign3A_656 = arith.subi %sign3A_652, %sign3A_655 : i32
    %sign3A_657 = arith.constant 0 : i32
    %sign3A_658 = arith.cmpi sgt, %jit3A_648, %sign3A_657 : i32
    %sign3A_659 = arith.extui %sign3A_658 : i1 to i32
    %sign3A_660 = arith.constant 0 : i32
    %sign3A_661 = arith.cmpi slt, %jit3A_648, %sign3A_660 : i32
    %sign3A_662 = arith.extui %sign3A_661 : i1 to i32
    %sign3A_663 = arith.subi %sign3A_659, %sign3A_662 : i32
    %ne3A_664 = arith.cmpi ne, %sign3A_656, %sign3A_663 : i32
    %rem3A_665 = arith.remsi %add3A_647, %jit3A_648 : i32
    %ne3A_666 = arith.constant 0 : i32
    %ne3A_667 = arith.cmpi ne, %rem3A_665, %ne3A_666 : i32
    %and3A_668 = arith.andi %ne3A_664, %ne3A_667 : i1
    %sub3A_669 = arith.constant 1 : i32
    %sub3A_670 = arith.subi %div3A_649, %sub3A_669 : i32
    %select_n3A_671 = arith.select %and3A_668, %sub3A_670, %div3A_649 : i32
    %mul3A_672 = arith.constant 8 : i32
    %mul3A_673 = arith.muli %select_n3A_671, %mul3A_672 : i32
    %jit3A_674 = arith.constant 2 : i32
    %eq3A_675 = arith.constant 0 : i32
    %eq3A_676 = arith.cmpi eq, %jit3A_674, %eq3A_675 : i32
    %jit3A_677 = arith.constant 1 : i32
    %select_n3A_678 = arith.select %eq3A_676, %jit3A_677, %jit3A_674 : i32
    %rem3A_679 = arith.remsi %add3A_647, %select_n3A_678 : i32
    %ne3A_680 = arith.constant 0 : i32
    %ne3A_681 = arith.cmpi ne, %rem3A_679, %ne3A_680 : i32
    %lt3A_682 = arith.constant 0 : i32
    %lt3A_683 = arith.cmpi slt, %rem3A_679, %lt3A_682 : i32
    %lt3A_684 = arith.constant 0 : i32
    %lt3A_685 = arith.cmpi slt, %select_n3A_678, %lt3A_684 : i32
    %ne3A_686 = arith.xori %lt3A_683, %lt3A_685 : i1
    %and3A_687 = arith.andi %ne3A_686, %ne3A_681 : i1
    %add3A_688 = arith.addi %rem3A_679, %select_n3A_678 : i32
    %select_n3A_689 = arith.select %and3A_687, %add3A_688, %rem3A_679 : i32
    %mul3A_690 = arith.constant 2048 : i32
    %mul3A_691 = arith.muli %select_n3A_689, %mul3A_690 : i32
    %dma_wait3A_692 = tpu.memref_slice %arg6[%mul3A_673, %mul3A_691] : memref<4096x4096xf32, #tpu.memory_space<hbm>> -> memref<8x2048xf32, #tpu.memory_space<hbm>>
    %dma_wait3A_693 = tpu.memref_slice %arg6[%mul3A_673, %mul3A_691] : memref<4096x4096xf32, #tpu.memory_space<hbm>> -> memref<8x2048xf32, #tpu.memory_space<hbm>>
    tpu.wait_dma2 semaphore(%arg21 : memref<!tpu.dma_semaphore, #tpu.memory_space<semaphore_mem>>) src(%arg15 : memref<8x2048xf32, #tpu.memory_space<vmem>>) dst(%dma_wait3A_693 : memref<8x2048xf32, #tpu.memory_space<hbm>>)
    %parallel_loop3A_694 = arith.constant 0 : i32
    %parallel_loop3A_695 = arith.constant 16384 : i32
    %parallel_loop3A_696 = arith.constant 16 : i32
    scf.for %parallel_loop3A_847 = %parallel_loop3A_694 to %parallel_loop3A_695 step %parallel_loop3A_696  : i32 {
      %parallel_loop3A_848 = arith.constant 11 : i32
      %parallel_loop3A_849 = arith.shrui %parallel_loop3A_847, %parallel_loop3A_848 : i32
      %parallel_loop3A_850 = arith.constant 2047 : i32
      %parallel_loop3A_851 = arith.andi %parallel_loop3A_847, %parallel_loop3A_850 : i32
      %parallel_loop3A_852 = arith.index_cast %parallel_loop3A_849 : i32 to index
      %parallel_loop3A_853 = arith.index_cast %parallel_loop3A_851 : i32 to index
      %parallel_loop3A_854 = tpu.vector_load %arg11[%parallel_loop3A_852, %parallel_loop3A_853] {strides = array<i32>} : memref<8x2048xi32, #tpu.memory_space<vmem>>, vector<16xi32>,
      %parallel_loop3A_855 = tpu.vector_load_idx %arg7[%parallel_loop3A_854] : memref<64xf32, #tpu.memory_space<vmem>>[vector<16xi32>], vector<16xf32>,
      %parallel_loop3A_856 = arith.index_cast %parallel_loop3A_849 : i32 to index
      %parallel_loop3A_857 = arith.index_cast %parallel_loop3A_851 : i32 to index
      %parallel_loop3A_858 = tpu.vector_load %arg13[%parallel_loop3A_856, %parallel_loop3A_857] {strides = array<i32>} : memref<8x2048xf32, #tpu.memory_space<vmem>>, vector<16xf32>,
      %parallel_loop3A_859 = arith.mulf %parallel_loop3A_858, %parallel_loop3A_855 : vector<16xf32>
      %parallel_loop3A_860 = arith.index_cast %parallel_loop3A_849 : i32 to index
      %parallel_loop3A_861 = arith.index_cast %parallel_loop3A_851 : i32 to index
      %parallel_loop3A_862 = tpu.vector_load %arg15[%parallel_loop3A_860, %parallel_loop3A_861] {strides = array<i32>} : memref<8x2048xf32, #tpu.memory_space<vmem>>, vector<16xf32>,
      tpu.vector_store %arg15[%parallel_loop3A_860, %parallel_loop3A_861], %parallel_loop3A_859 {strides = array<i32>} : memref<8x2048xf32, #tpu.memory_space<vmem>>, vector<16xf32>,
    } {sc.loop_unroll_factor = 8 : i64, sc.parallel_access}
    %mul3A_697 = arith.constant 32 : i32
    %mul3A_698 = arith.muli %add3A, %mul3A_697 : i32
    %add3A_699 = arith.constant 31 : i32
    %add3A_700 = arith.addi %mul3A_698, %add3A_699 : i32
    %jit3A_701 = arith.constant 2 : i32
    %div3A_702 = arith.divsi %add3A_700, %jit3A_701 : i32
    %sign3A_703 = arith.constant 0 : i32
    %sign3A_704 = arith.cmpi sgt, %add3A_700, %sign3A_703 : i32
    %sign3A_705 = arith.extui %sign3A_704 : i1 to i32
    %sign3A_706 = arith.constant 0 : i32
    %sign3A_707 = arith.cmpi slt, %add3A_700, %sign3A_706 : i32
    %sign3A_708 = arith.extui %sign3A_707 : i1 to i32
    %sign3A_709 = arith.subi %sign3A_705, %sign3A_708 : i32
    %sign3A_710 = arith.constant 0 : i32
    %sign3A_711 = arith.cmpi sgt, %jit3A_701, %sign3A_710 : i32
    %sign3A_712 = arith.extui %sign3A_711 : i1 to i32
    %sign3A_713 = arith.constant 0 : i32
    %sign3A_714 = arith.cmpi slt, %jit3A_701, %sign3A_713 : i32
    %sign3A_715 = arith.extui %sign3A_714 : i1 to i32
    %sign3A_716 = arith.subi %sign3A_712, %sign3A_715 : i32
    %ne3A_717 = arith.cmpi ne, %sign3A_709, %sign3A_716 : i32
    %rem3A_718 = arith.remsi %add3A_700, %jit3A_701 : i32
    %ne3A_719 = arith.constant 0 : i32
    %ne3A_720 = arith.cmpi ne, %rem3A_718, %ne3A_719 : i32
    %and3A_721 = arith.andi %ne3A_717, %ne3A_720 : i1
    %sub3A_722 = arith.constant 1 : i32
    %sub3A_723 = arith.subi %div3A_702, %sub3A_722 : i32
    %select_n3A_724 = arith.select %and3A_721, %sub3A_723, %div3A_702 : i32
    %mul3A_725 = arith.constant 8 : i32
    %mul3A_726 = arith.muli %select_n3A_724, %mul3A_725 : i32
    %jit3A_727 = arith.constant 2 : i32
    %eq3A_728 = arith.constant 0 : i32
    %eq3A_729 = arith.cmpi eq, %jit3A_727, %eq3A_728 : i32
    %jit3A_730 = arith.constant 1 : i32
    %select_n3A_731 = arith.select %eq3A_729, %jit3A_730, %jit3A_727 : i32
    %rem3A_732 = arith.remsi %add3A_700, %select_n3A_731 : i32
    %ne3A_733 = arith.constant 0 : i32
    %ne3A_734 = arith.cmpi ne, %rem3A_732, %ne3A_733 : i32
    %lt3A_735 = arith.constant 0 : i32
    %lt3A_736 = arith.cmpi slt, %rem3A_732, %lt3A_735 : i32
    %lt3A_737 = arith.constant 0 : i32
    %lt3A_738 = arith.cmpi slt, %select_n3A_731, %lt3A_737 : i32
    %ne3A_739 = arith.xori %lt3A_736, %lt3A_738 : i1
    %and3A_740 = arith.andi %ne3A_739, %ne3A_734 : i1
    %add3A_741 = arith.addi %rem3A_732, %select_n3A_731 : i32
    %select_n3A_742 = arith.select %and3A_740, %add3A_741, %rem3A_732 : i32
    %mul3A_743 = arith.constant 2048 : i32
    %mul3A_744 = arith.muli %select_n3A_742, %mul3A_743 : i32
    %dma_start3A_745 = tpu.memref_slice %arg6[%mul3A_726, %mul3A_744] : memref<4096x4096xf32, #tpu.memory_space<hbm>> -> memref<8x2048xf32, #tpu.memory_space<hbm>>
    %dma_start3A_746 = tpu.memref_slice %arg6[%mul3A_726, %mul3A_744] : memref<4096x4096xf32, #tpu.memory_space<hbm>> -> memref<8x2048xf32, #tpu.memory_space<hbm>>
    tpu.enqueue_dma source(%arg15 : memref<8x2048xf32, #tpu.memory_space<vmem>>) target(%dma_start3A_746 : memref<8x2048xf32, #tpu.memory_space<hbm>>) target_semaphore(%arg21 : memref<!tpu.dma_semaphore, #tpu.memory_space<semaphore_mem>>)
    %mul3A_747 = arith.constant 32 : i32
    %mul3A_748 = arith.muli %add3A, %mul3A_747 : i32
    %add3A_749 = arith.constant 30 : i32
    %add3A_750 = arith.addi %mul3A_748, %add3A_749 : i32
    %jit3A_751 = arith.constant 2 : i32
    %div3A_752 = arith.divsi %add3A_750, %jit3A_751 : i32
    %sign3A_753 = arith.constant 0 : i32
    %sign3A_754 = arith.cmpi sgt, %add3A_750, %sign3A_753 : i32
    %sign3A_755 = arith.extui %sign3A_754 : i1 to i32
    %sign3A_756 = arith.constant 0 : i32
    %sign3A_757 = arith.cmpi slt, %add3A_750, %sign3A_756 : i32
    %sign3A_758 = arith.extui %sign3A_757 : i1 to i32
    %sign3A_759 = arith.subi %sign3A_755, %sign3A_758 : i32
    %sign3A_760 = arith.constant 0 : i32
    %sign3A_761 = arith.cmpi sgt, %jit3A_751, %sign3A_760 : i32
    %sign3A_762 = arith.extui %sign3A_761 : i1 to i32
    %sign3A_763 = arith.constant 0 : i32
    %sign3A_764 = arith.cmpi slt, %jit3A_751, %sign3A_763 : i32
    %sign3A_765 = arith.extui %sign3A_764 : i1 to i32
    %sign3A_766 = arith.subi %sign3A_762, %sign3A_765 : i32
    %ne3A_767 = arith.cmpi ne, %sign3A_759, %sign3A_766 : i32
    %rem3A_768 = arith.remsi %add3A_750, %jit3A_751 : i32
    %ne3A_769 = arith.constant 0 : i32
    %ne3A_770 = arith.cmpi ne, %rem3A_768, %ne3A_769 : i32
    %and3A_771 = arith.andi %ne3A_767, %ne3A_770 : i1
    %sub3A_772 = arith.constant 1 : i32
    %sub3A_773 = arith.subi %div3A_752, %sub3A_772 : i32
    %select_n3A_774 = arith.select %and3A_771, %sub3A_773, %div3A_752 : i32
    %mul3A_775 = arith.constant 8 : i32
    %mul3A_776 = arith.muli %select_n3A_774, %mul3A_775 : i32
    %jit3A_777 = arith.constant 2 : i32
    %eq3A_778 = arith.constant 0 : i32
    %eq3A_779 = arith.cmpi eq, %jit3A_777, %eq3A_778 : i32
    %jit3A_780 = arith.constant 1 : i32
    %select_n3A_781 = arith.select %eq3A_779, %jit3A_780, %jit3A_777 : i32
    %rem3A_782 = arith.remsi %add3A_750, %select_n3A_781 : i32
    %ne3A_783 = arith.constant 0 : i32
    %ne3A_784 = arith.cmpi ne, %rem3A_782, %ne3A_783 : i32
    %lt3A_785 = arith.constant 0 : i32
    %lt3A_786 = arith.cmpi slt, %rem3A_782, %lt3A_785 : i32
    %lt3A_787 = arith.constant 0 : i32
    %lt3A_788 = arith.cmpi slt, %select_n3A_781, %lt3A_787 : i32
    %ne3A_789 = arith.xori %lt3A_786, %lt3A_788 : i1
    %and3A_790 = arith.andi %ne3A_789, %ne3A_784 : i1
    %add3A_791 = arith.addi %rem3A_782, %select_n3A_781 : i32
    %select_n3A_792 = arith.select %and3A_790, %add3A_791, %rem3A_782 : i32
    %mul3A_793 = arith.constant 2048 : i32
    %mul3A_794 = arith.muli %select_n3A_792, %mul3A_793 : i32
    %dma_wait3A_795 = tpu.memref_slice %arg6[%mul3A_776, %mul3A_794] : memref<4096x4096xf32, #tpu.memory_space<hbm>> -> memref<8x2048xf32, #tpu.memory_space<hbm>>
    %dma_wait3A_796 = tpu.memref_slice %arg6[%mul3A_776, %mul3A_794] : memref<4096x4096xf32, #tpu.memory_space<hbm>> -> memref<8x2048xf32, #tpu.memory_space<hbm>>
    tpu.wait_dma2 semaphore(%arg20 : memref<!tpu.dma_semaphore, #tpu.memory_space<semaphore_mem>>) src(%arg14 : memref<8x2048xf32, #tpu.memory_space<vmem>>) dst(%dma_wait3A_796 : memref<8x2048xf32, #tpu.memory_space<hbm>>)
    %mul3A_797 = arith.constant 32 : i32
    %mul3A_798 = arith.muli %add3A, %mul3A_797 : i32
    %add3A_799 = arith.constant 31 : i32
    %add3A_800 = arith.addi %mul3A_798, %add3A_799 : i32
    %jit3A_801 = arith.constant 2 : i32
    %div3A_802 = arith.divsi %add3A_800, %jit3A_801 : i32
    %sign3A_803 = arith.constant 0 : i32
    %sign3A_804 = arith.cmpi sgt, %add3A_800, %sign3A_803 : i32
    %sign3A_805 = arith.extui %sign3A_804 : i1 to i32
    %sign3A_806 = arith.constant 0 : i32
    %sign3A_807 = arith.cmpi slt, %add3A_800, %sign3A_806 : i32
    %sign3A_808 = arith.extui %sign3A_807 : i1 to i32
    %sign3A_809 = arith.subi %sign3A_805, %sign3A_808 : i32
    %sign3A_810 = arith.constant 0 : i32
    %sign3A_811 = arith.cmpi sgt, %jit3A_801, %sign3A_810 : i32
    %sign3A_812 = arith.extui %sign3A_811 : i1 to i32
    %sign3A_813 = arith.constant 0 : i32
    %sign3A_814 = arith.cmpi slt, %jit3A_801, %sign3A_813 : i32
    %sign3A_815 = arith.extui %sign3A_814 : i1 to i32
    %sign3A_816 = arith.subi %sign3A_812, %sign3A_815 : i32
    %ne3A_817 = arith.cmpi ne, %sign3A_809, %sign3A_816 : i32
    %rem3A_818 = arith.remsi %add3A_800, %jit3A_801 : i32
    %ne3A_819 = arith.constant 0 : i32
    %ne3A_820 = arith.cmpi ne, %rem3A_818, %ne3A_819 : i32
    %and3A_821 = arith.andi %ne3A_817, %ne3A_820 : i1
    %sub3A_822 = arith.constant 1 : i32
    %sub3A_823 = arith.subi %div3A_802, %sub3A_822 : i32
    %select_n3A_824 = arith.select %and3A_821, %sub3A_823, %div3A_802 : i32
    %mul3A_825 = arith.constant 8 : i32
    %mul3A_826 = arith.muli %select_n3A_824, %mul3A_825 : i32
    %jit3A_827 = arith.constant 2 : i32
    %eq3A_828 = arith.constant 0 : i32
    %eq3A_829 = arith.cmpi eq, %jit3A_827, %eq3A_828 : i32
    %jit3A_830 = arith.constant 1 : i32
    %select_n3A_831 = arith.select %eq3A_829, %jit3A_830, %jit3A_827 : i32
    %rem3A_832 = arith.remsi %add3A_800, %select_n3A_831 : i32
    %ne3A_833 = arith.constant 0 : i32
    %ne3A_834 = arith.cmpi ne, %rem3A_832, %ne3A_833 : i32
    %lt3A_835 = arith.constant 0 : i32
    %lt3A_836 = arith.cmpi slt, %rem3A_832, %lt3A_835 : i32
    %lt3A_837 = arith.constant 0 : i32
    %lt3A_838 = arith.cmpi slt, %select_n3A_831, %lt3A_837 : i32
    %ne3A_839 = arith.xori %lt3A_836, %lt3A_838 : i1
    %and3A_840 = arith.andi %ne3A_839, %ne3A_834 : i1
    %add3A_841 = arith.addi %rem3A_832, %select_n3A_831 : i32
    %select_n3A_842 = arith.select %and3A_840, %add3A_841, %rem3A_832 : i32
    %mul3A_843 = arith.constant 2048 : i32
    %mul3A_844 = arith.muli %select_n3A_842, %mul3A_843 : i32
    %dma_wait3A_845 = tpu.memref_slice %arg6[%mul3A_826, %mul3A_844] : memref<4096x4096xf32, #tpu.memory_space<hbm>> -> memref<8x2048xf32, #tpu.memory_space<hbm>>
    %dma_wait3A_846 = tpu.memref_slice %arg6[%mul3A_826, %mul3A_844] : memref<4096x4096xf32, #tpu.memory_space<hbm>> -> memref<8x2048xf32, #tpu.memory_space<hbm>>
    tpu.wait_dma2 semaphore(%arg21 : memref<!tpu.dma_semaphore, #tpu.memory_space<semaphore_mem>>) src(%arg15 : memref<8x2048xf32, #tpu.memory_space<vmem>>) dst(%dma_wait3A_846 : memref<8x2048xf32, #tpu.memory_space<hbm>>)
    return
  }
}

</mosaic_0001>

<sc_bundles>
// kernel: kernel.3.cloned.1.call-start
scs
__scs_entry_jumppad:
0x0: {  	(pc) =	sbr.rel $0x88, $3  }
0x1: {  	(tag) =	ssettag $0x0;
	lr =	simm.s32 $0x1  }
0x2: {  	[smem:$0x3F9D] =	sst lr;
	_ =	strace $0xD0000000  }
0x3: {  	_ = 	snop  }
0x4: {  	_ = 	snop  }
0x5: {  	_ = 	snop  }
0x6: {  	_ = 	snop  }
0x7: {  	_ = 	snop  }
__scs_overlays_trampoline_lowered:
0x8: {  	[smem:$0x3FAC] =	sst s0  }
0x9: {  	[smem:$0x3FAD] =	sst s1  }
0xa: {  	[smem:$0x3FAE] =	sst s2  }
0xb: {  	[smem:$0x3FAF] =	sst s3  }
0xc: {  	[smem:$0x3FB0] =	sst s4  }
0xd: {  	[smem:$0x3FB1] =	sst s5  }
0xe: {  	[smem:$0x3FB2] =	sst s6  }
0xf: {  	[smem:$0x3FB3] =	sst s7  }
0x10: {  	[smem:$0x3FB4] =	sst s8  }
0x11: {  	[smem:$0x3FB5] =	sst s9;
	s0 =	simm.s32 @!p0 $0x0  }
0x12: {  	s1 =	sld [smem:$0x3F9B];
	s0 =	simm.s32 @p0 $0x1  }
0x13: {  	[smem:$0x3FB6] =	sst s0;
	s0 =	simm.s32 @!p1 $0x0  }
0x14: {  	s2 =	sld [smem:$0x3F9A];
	s0 =	simm.s32 @p1 $0x1  }
0x15: {  	[smem:$0x3FB7] =	sst s0;
	s0 =	simm.s32 @!p2 $0x0  }
0x16: {  	s3 =	sld [smem:$0x3FDB];
	s0 =	simm.s32 @p2 $0x1  }
0x17: {  	s4 =	simm.s32 $0x1BF5;
	[smem:$0x3FB9] =	sst s0  }
0x18: {  	s0 =	sld [smem:$0x3F9C];
	_ =	swait.ge [sflag:s4], $0x0  }
0x19: {  	s7 =	sld [smem:$0x3F9D]  }
0x1a: {  	s8 =	sadd.s32 $0xFFFFE003, lr  }
0x1b: {  	s9 =	sadd.s32 $0xFFFFFEF7, lr;
	s5 =	simm.s32 $0xFFFFFFFF;
	p2 =	slt.u32 s8, $0xFFFFF086  }
0x1c: {  	p1 =	slt.u32 s9, $0xF7A;
	s5 =	simm.s32 @!p2 $0x0  }
0x1d: {  	s5 =	simm.s32 @p1 $0x1;
	p0 =	seq.s32 s7, s2  }
0x1e: {  	s7 =	smul.u32 @!p0 $0xF7A, s2;
	p2 =	seq.s32 @!p0 s5, $0x0  }
0x1f: {  	s9 =	smul.u32 $0xF7A, s1;
	s8 =	simm.s32 @!p0 $0x1BF5;
	p2 =	por !p2, p0  }
0x20: {  	[sflag:s8] =	ssyncset.s32 @!p0 $0xFFFFF086;
	s6 =	sadd.s32 @!p0 s3, s7;
	s7 =	simm.s32 @!p0 $0x108  }
0x21: {  	s3 =	sadd.s32 s3, s9;
	s6 =	sadd.s32 @!p0 $0x88, s6;
	s7 =	simm.s32 @p2 $0x1082  }
0x22: {  	[simem:s7], [sflag:s8] =	dma.local @!p0 [hbm:s6], $0xF7A  }
0x23: {  	s9 =	sor.u32 $0xD0000000, s2;
	s6 =	simm.s32 $0x108;
	_ =	swait.ge @!p0 [sflag:s8], $0x0  }
0x24: {  	s3 =	sadd.s32 $0x88, s3;
	s6 =	simm.s32 @!p1 $0x1082;
	[sflag:s4] =	ssyncset.s32 $0xFFFFF086  }
0x25: {  	[simem:s6], [sflag:s4] =	dma.local [hbm:s3], $0xF7A  }
0x26: {  	[smem:$0x3F9D] =	sst s1;
	(tag) =	ssettag s2;
	_ =	strace s9  }
0x27: {  	s1 =	sld [smem:$0x3FAD]  }
0x28: {  	s2 =	sld [smem:$0x3FAE]  }
0x29: {  	s4 =	sld [smem:$0x3FB0]  }
0x2a: {  	p0 =	seq.s32 s5, $0x0;
	s5 =	sld [smem:$0x3FB1]  }
0x2b: {  	s6 =	sld [smem:$0x3FB2]  }
0x2c: {  	s7 =	sld [smem:$0x3FB3]  }
0x2d: {  	s3 =	simm.s32 $0x108;
	s8 =	sld [smem:$0x3FB4]  }
0x2e: {  	s3 =	simm.s32 @!p0 $0x1082;
	s9 =	sld [smem:$0x3FB5]  }
0x2f: {  	lr =	sadd.s32 s0, s3;
	s0 =	sld [smem:$0x3FAC]  }
0x30: {  	s3 =	sld [smem:$0x3FAF]  }
0x31: {  	[smem:$0x3FB8] =	sst s10  }
0x32: {  	s10 =	sld [smem:$0x3FB6];
	_ =	sdelay $0x3  }
0x33: {  	p0 =	seq.s32 s10, $0x1;
	s10 =	sld [smem:$0x3FB8];
	_ =	sdelay $0x3  }
0x34: {  	[smem:$0x3FB8] =	sst s10  }
0x35: {  	s10 =	sld [smem:$0x3FB7];
	_ =	sdelay $0x3  }
0x36: {  	p1 =	seq.s32 s10, $0x1;
	s10 =	sld [smem:$0x3FB8];
	_ =	sdelay $0x3  }
0x37: {  	[smem:$0x3FB8] =	sst s10  }
0x38: {  	s10 =	sld [smem:$0x3FB9]  }
0x39: {  	_ = 	snop;
	(pc) =	sbr.ind lr, $3  }
0x3a: {  	_ = 	snop  }
0x3b: {  	_ = 	snop  }
0x3c: {  	p2 =	seq.s32 s10, $0x1;
	s10 =	sld [smem:$0x3FB8]  }
0x3d: {  	_ =	shalt  }
0x3e: {  	_ =	shalt  }
0x3f: {  	_ =	shalt  }
0x40: {  	_ =	shalt  }
0x41: {  	_ =	shalt  }
0x42: {  	_ =	shalt  }
0x43: {  	_ =	shalt  }
0x44: {  	_ =	shalt  }
0x45: {  	_ =	shalt  }
0x46: {  	_ =	shalt  }
0x47: {  	_ =	shalt  }
0x48: {  	_ =	shalt  }
0x49: {  	_ =	shalt  }
0x4a: {  	_ =	shalt  }
0x4b: {  	_ =	shalt  }
0x4c: {  	_ =	shalt  }
0x4d: {  	_ =	shalt  }
0x4e: {  	_ =	shalt  }
0x4f: {  	_ =	shalt  }
0x50: {  	_ =	shalt  }
0x51: {  	_ =	shalt  }
0x52: {  	_ =	shalt  }
0x53: {  	_ =	shalt  }
0x54: {  	_ =	shalt  }
0x55: {  	_ =	shalt  }
0x56: {  	_ =	shalt  }
0x57: {  	_ =	shalt  }
0x58: {  	_ =	shalt  }
0x59: {  	_ =	shalt  }
0x5a: {  	_ =	shalt  }
0x5b: {  	_ =	shalt  }
0x5c: {  	_ =	shalt  }
0x5d: {  	_ =	shalt  }
0x5e: {  	_ =	shalt  }
0x5f: {  	_ =	shalt  }
0x60: {  	_ =	shalt  }
0x61: {  	_ =	shalt  }
0x62: {  	_ =	shalt  }
0x63: {  	_ =	shalt  }
0x64: {  	_ =	shalt  }
0x65: {  	_ =	shalt  }
0x66: {  	_ =	shalt  }
0x67: {  	_ =	shalt  }
0x68: {  	_ =	shalt  }
0x69: {  	_ =	shalt  }
0x6a: {  	_ =	shalt  }
0x6b: {  	_ =	shalt  }
0x6c: {  	_ =	shalt  }
0x6d: {  	_ =	shalt  }
0x6e: {  	_ =	shalt  }
0x6f: {  	_ =	shalt  }
0x70: {  	_ =	shalt  }
0x71: {  	_ =	shalt  }
0x72: {  	_ =	shalt  }
0x73: {  	_ =	shalt  }
0x74: {  	_ =	shalt  }
0x75: {  	_ =	shalt  }
0x76: {  	_ =	shalt  }
0x77: {  	_ =	shalt  }
0x78: {  	_ =	shalt  }
0x79: {  	_ =	shalt  }
0x7a: {  	_ =	shalt  }
0x7b: {  	_ =	shalt  }
0x7c: {  	_ =	shalt  }
0x7d: {  	_ =	shalt  }
0x7e: {  	_ =	shalt  }
0x7f: {  	_ =	shalt  }
0x80: {  	_ =	shalt  }
0x81: {  	_ =	shalt  }
0x82: {  	_ =	shalt  }
0x83: {  	_ =	shalt  }
0x84: {  	_ =	shalt  }
0x85: {  	_ =	shalt  }
0x86: {  	_ =	shalt  }
0x87: {  	_ =	shalt  }
.Lfunc_end0:
.L_simem_size_0:
called_computation_lowered:
.L_overlay_start_0:
0x88: {  	s2 =	sld [smem:$0x3FD9]  }
0x89: {  	s3 =	sld [smem:$0x3FFE];
	_ =	sdelay $0x1  }
0x8a: {  	s1 =	srdreg.scid  }
0x8b: {  	s0 =	sand.u32 $0x1, s1  }
0x8c: {  	s18 =	sshll.u32 s0, $0xA;
	s2 =	sadd.s32 s3, s2  }
0x8d: {  	s2 =	sadd.s32 s2, s18  }
0x8e: {  	[smem:$0x3FC4] =	sst s2  }
0x8f: {  	_ = 	snop  }
0x90: {  	s2 =	sld [smem:$0x3FC9]  }
0x91: {  	s19 =	sld [smem:$0x3FC8]  }
0x92: {  	s4 =	sld [smem:$0x3FC7]  }
0x93: {  	s5 =	sld [smem:$0x3FC6]  }
0x94: {  	s6 =	sld [smem:$0x3FD0];
	(tm) =	ssettm $0x1  }
0x95: {  	s7 =	sld [smem:$0x3FFB];
	_ =	sdelay $0x3  }
0x96: {  	_ =	strace s7  }
0x97: {  	s7 =	sld [smem:$0x3FFC];
	_ =	sdelay $0x3  }
0x98: {  	_ =	strace s7  }
0x99: {  	s7 =	sld [smem:$0x3FFD];
	_ =	sdelay $0x3  }
0x9a: {  	_ =	strace s7  }
0x9b: {  	_ =	strace $0x8FFFFFFF  }
0x9c: {  	s20 =	sld [smem:$0x3FDB];
	_ =	sdelay $0x1  }
0x9d: {  	s8 =	simm.s32 $_scs_section_size  }
0x9e: {  	s9 =	simm.s32 $_size__tile_overlayer_lowered;
	s10 =	simm.s32 $_tile_overlayer_lowered  }
0x9f: {  	s23 =	simm.s32 $0x1BFF;
	s22 =	sshll.u32 s10, $0x1;
	s7 =	sadd.s32 s8, s20  }
0xa0: {  	s11 =	simm.s32 $0x0;
	s21 =	sshll.u32 s9, $0x1;
	s9 =	sadd.s32 s22, s7  }
0xa1: {  	[timem:s11], [sflag:s23] =	dma.local [hbm:s9], s21  }
0xa2: {  	_ =	swait.ge [sflag:s23], s21  }
0xa3: {  	s8 =	ssub.s32 $0x0, s21;
	[sflag:s23] =	ssyncset.done $0x0  }
0xa4: {  	[sflag:s23] =	ssyncadd.s32 s8;
	_ =	sdelay $0x1  }
0xa5: {  	s24 =	simm.s32 $0x1B8B  }
0xa6: {  	_ =	swait.ge [sflag:s24], $0x1  }
0xa7: {  	[sflag:s24] =	ssyncset.done $0x0  }
0xa8: {  	s25 =	simm.s32 $0x1B8E;
	[sflag:s24] =	ssyncadd.s32 $0xFFFFFFFF  }
0xa9: {  	s26 =	simm.s32 $execute0_lowered;
	[smem:$0x3FD2] =	sst s25  }
0xaa: {  	s8 =	sshll.u32 s26, $0x1;
	_ =	strace $0x80000046;
	[dreg:$0x1] =	wrdreg $0xFFFFFFFF  }
0xab: {  	s28 =	simm.s32 $_size_execute0_lowered;
	s7 =	sadd.s32 s7, s8;
	[dreg:$0x0] =	wrdreg $0x0  }
0xac: {  	s8 =	sshll.u32 s28, $0x1;
	[dreg:$0x2] =	wrdreg s7  }
0xad: {  	[dreg:$0x3] =	wrdreg s8  }
0xae: {  	[dreg:$0x4] =	wrdreg $0xC0  }
0xaf: {  	_ =	task [dreg:s11], $0x5FFFF  }
0xb0: {  	[dreg:$0x1] =	wrdreg $0xFFFFFFFF  }
0xb1: {  	[dreg:$0x0] =	wrdreg $0x60  }
0xb2: {  	[dreg:$0x2] =	wrdreg s2  }
0xb3: {  	[dreg:$0x3] =	wrdreg s19  }
0xb4: {  	[dreg:$0x4] =	wrdreg s4  }
0xb5: {  	[dreg:$0x5] =	wrdreg s5  }
0xb6: {  	[dreg:$0x6] =	wrdreg s6  }
0xb7: {  	[dreg:$0x7] =	wrdreg $0x9  }
0xb8: {  	_ =	task.clear_ibuf [dreg:s11], $0x8FFFF;
	_ =	strace $0x90000046  }
0xb9: {  	s29 =	simm.s32 $0x9;
	_ =	strace $0x80000048  }
0xba: {  	_ =	swait.ge [sflag:s29], $0x1  }
0xbb: {  	[sflag:s29] =	ssyncadd.s32 $0xFFFFFFFF  }
0xbc: {  	_ =	strace $0x90000048  }
0xbd: {  	_ =	sfence  }
0xbe: {  	s30 =	sld [smem:$0x0];
	_ =	sdelay $0x2  }
0xbf: {  	s31 =	sshll.u32 s1, $0xD;
	s1 =	sshrl.u32 s1, $0x2  }
0xc0: {  	s3 =	sand.u32 $0x4000, s31;
	s1 =	sadd.s32 s1, s30  }
0xc1: {  	s0 =	sor.u32 s3, s0;
	s1 =	sshll.u32 s1, $0x11  }
0xc2: {  	s0 =	sor.u32 s1, s0  }
0xc3: {  	s0 =	sadd.s32 $0x8F2B, s0  }
0xc4: {  	[sflag:s0] =	ssyncadd.remote.s32 $0x1  }
0xc5: {  	_ =	sfence.sel $0xFFFF  }
0xc6: {  	[dreg:$0x0] =	wrdreg $0xFFFFFFFF;
	(pc) =	sbr.abs _section_cstart, $3  }
0xc7: {  	[dreg:$0x1] =	wrdreg $0xFFFFFFFF  }
0xc8: {  	_ =	task.clear_ibuf [dreg:s11], $0x2FFFF;
	_ =	strace $0x9FFFFFFF  }
0xc9: {  	(tm) =	ssettm $0x7FFFFFFF  }
tec
execute0_lowered:
.L_overlay_start_1:
0x0: {  	(tag) =	ssettag $0x1  }
0x1: {  	s1 =	rddreg [dreg:$0x0]  }
0x2: {  	s2 =	rddreg [dreg:$0x1]  }
0x3: {  	s6 =	rddreg [dreg:$0x4]  }
0x4: {  	s0 =	srdreg.scid;
	s7 =	simm.s32 $0x0;
	s4 =	stileid.u32  }
0x5: {  	s28 =	simm.s32 $0x7;
	s30 =	simm.s32 $0x180;
	s0 =	sand.u32 $0x1, s0  }
0x6: {  	s4 =	sshll.u32 s4, $0x6;
	s3 =	ssub.s32 $0x2, s0;
	s0 =	sshll.u32 s0, $0x5  }
0x7: {  	s31 =	simm.s32 $0x8180;
	s29 =	simm.s32 $0x2;
	s8 =	sor.u32 s0, s4  }
0x8: {  	s11 =	simm.s32 $0x5;
	[smem:$0x7FF] =	sst s7;
	s17 =	sshll.u32 s8, $0xB  }
0x9: {  	s12 =	simm.s32 $0x6;
	_ =	strace $0x80000047;
	s18 =	sadd.s32 s1, s17  }
0xa: {  	s5 =	sshrl.u32 s3, $0x1;
	s19 =	sadd.s32 s2, s17;
	[dreg:$0x6] =	wrdreg s18  }
0xb: {  	s16 =	ssub.s32 s3, s5;
	s9 =	sadd.s32 s6, s17;
	[dreg:$0x7] =	wrdreg s19  }
0xc: {  	s20 =	sor.u32 $0x800, s17;
	s0 =	smax.u32 s16, $0x1;
	[dreg:$0xa] =	wrdreg s9  }
0xd: {  	s14 =	simm.s32 $0x0;
	s21 =	sadd.s32 s1, s20;
	[dreg:$0x12] =	wrdreg s0  }
0xe: {  	s23 =	sor.u32 $0x1000, s17;
	s22 =	sadd.s32 s2, s20;
	[dreg:$0x8] =	wrdreg s21  }
0xf: {  	s3 =	sor.u32 $0x1800, s17;
	s10 =	sadd.s32 s1, s23;
	[dreg:$0x9] =	wrdreg s22  }
0x10: {  	s5 =	sadd.s32 s2, s23;
	s4 =	sadd.s32 s6, s20;
	[dreg:$0xb] =	wrdreg s10  }
0x11: {  	s24 =	sadd.s32 s1, s3;
	s3 =	sadd.s32 s2, s3;
	[dreg:$0xc] =	wrdreg s5  }
0x12: {  	s19 =	sor.u32 $0x2, s8;
	s20 =	sshrl.u32 s8, $0x1;
	[dreg:$0xd] =	wrdreg s4  }
0x13: {  	s25 =	sadd.s32 $0xF000, s9;
	s26 =	sadd.s32 $0xF800, s9;
	[dreg:$0xe] =	wrdreg s24  }
0x14: {  	s0 =	simm.s32 $0x4180;
	s9 =	simm.s32 $0x4;
	[dreg:$0xf] =	wrdreg s3  }
0x15: {  	s21 =	sadd.s32 $0x800, s6;
	s22 =	sor.u32 $0x3, s8;
	[dreg:$0x10] =	wrdreg s25  }
0x16: {  	[dreg:$0x11] =	wrdreg s26;
	s5 =	simm.s32 $0xC180;
	s3 =	simm.s32 $0x1  }
0x17: {  	s4 =	simm.s32 $0x3;
	s26 =	simm.s32 $0x10180;
	s10 =	simm.s32 $0x14180  }
.LBB2_1:
0x18: {  	s13 =	rddreg [dreg:$0x2];
	s15 =	simm.s32 $0x80  }
0x19: {  	[tilespmem:s15], [sflag:$0x7] =	stream.linear.gather [hbm4b:s13+s7], $0x32, $0x38;
	[tilespmem:$0x18180] =	vst v63  }
0x1a: {  	_ =	swait.ge [sflag:s28], $0x32  }
0x1b: {  	[sflag:s28] =	ssyncset.done $0x0  }
0x1c: {  	[sflag:s28] =	ssyncadd.s32 $0xFFFFFFCE  }
0x1d: {  	s16 =	simm.s32 $0x100;
	s15 =	rddreg [dreg:$0x3]  }
0x1e: {  	[tilespmem:s16], [sflag:$0x7] =	stream.linear.gather [hbm4b:s15+s7], $0x32, $0x38;
	[tilespmem:$0x18180] =	vst v63  }
0x1f: {  	_ =	swait.ge [sflag:s28], $0x32  }
0x20: {  	[sflag:s28] =	ssyncset.done $0x0  }
0x21: {  	[sflag:s28] =	ssyncadd.s32 $0xFFFFFFCE  }
0x22: {  	v0 =	vld [tilespmem:$0x100]  }
0x23: {  	v1 =	vld [tilespmem:$0x110]  }
0x24: {  	v2 =	vld [tilespmem:$0x120]  }
0x25: {  	v3 =	vld [tilespmem:$0x130];
	_ =	sdelay $0x1  }
0x26: {  	(erf) = vrcp.f32 v0  }
0x27: {  	(erf) = vrcp.f32 v1  }
0x28: {  	(erf) = vrcp.f32 v2  }
0x29: {  	(erf) = vrcp.f32 v3;
	_ =	sdelay $0x1  }
0x2a: {  	v0 =	vld [tilespmem:$0x80]  }
0x2b: {  	v1 =	vld [tilespmem:$0x90]  }
0x2c: {  	v2 =	vld [tilespmem:$0xA0]  }
0x2d: {  	v3 =	vld [tilespmem:$0xB0]  }
0x2e: {  	v4 =	vpop (erf)  }
0x2f: {  	v5 =	vpop (erf);
	v0 =	vmul.f32 v4, v0  }
0x30: {  	v4 =	vpop (erf);
	v1 =	vmul.f32 v5, v1  }
0x31: {  	[tilespmem:$0x0] =	vst v0;
	v0 =	vmul.f32 v4, v2;
	v2 =	vpop (erf)  }
0x32: {  	[tilespmem:$0x10] =	vst v1;
	v1 =	vmul.f32 v2, v3  }
0x33: {  	[tilespmem:$0x20] =	vst v0  }
0x34: {  	s17 =	rddreg [dreg:$0x6];
	[tilespmem:$0x30] =	vst v1  }
0x35: {  	[tilespmem:s30], [sflag:$0x1] =	stream.linear.gather [hbm4b:s17+s7], $0x4000, $0x38;
	[tilespmem:$0x18180] =	vst v63  }
0x36: {  	s18 =	rddreg [dreg:$0x7]  }
0x37: {  	[tilespmem:s31], [sflag:$0x3] =	stream.linear.gather [hbm4b:s18+s7], $0x4000, $0x38;
	[tilespmem:$0x18180] =	vst v63  }
0x38: {  	s23 =	rddreg [dreg:$0x8]  }
0x39: {  	[tilespmem:s0], [sflag:$0x2] =	stream.linear.gather [hbm4b:s23+s7], $0x4000, $0x38;
	[tilespmem:$0x18180] =	vst v63  }
0x3a: {  	s24 =	rddreg [dreg:$0x9]  }
0x3b: {  	[tilespmem:s5], [sflag:$0x4] =	stream.linear.gather [hbm4b:s24+s7], $0x4000, $0x38;
	[tilespmem:$0x18180] =	vst v63  }
0x3c: {  	_ =	swait.ge [sflag:s3], $0x4000  }
0x3d: {  	[sflag:s3] =	ssyncset.done $0x0  }
0x3e: {  	[sflag:s3] =	ssyncadd.s32 $0xFFFFC000  }
0x3f: {  	_ =	swait.ge [sflag:s4], $0x4000  }
0x40: {  	s25 =	sand.u32 $0x3C00, s7;
	s16 =	sand.u32 $0x380, s7;
	[sflag:s4] =	ssyncset.done $0x0  }
0x41: {  	s15 =	sor.u32 s16, s25;
	[sflag:s4] =	ssyncadd.s32 $0xFFFFC000  }
0x42: {  	v0 =	vld [tilespmem:s15+$0x1F0]  }
0x43: {  	v1 =	vld [tilespmem:s15+$0x180]  }
0x44: {  	v2 =	vld [tilespmem:s15+$0x190]  }
0x45: {  	v3 =	vld [tilespmem:s15+$0x1A0]  }
0x46: {  	v7 =	vld [tilespmem:s15+$0x1B0]  }
0x47: {  	v8 =	vld [tilespmem:s15+$0x1C0]  }
0x48: {  	v9 =	vld [tilespmem:s15+$0x1D0]  }
0x49: {  	v10 =	vld [tilespmem:s15+$0x1E0]  }
0x4a: {  	v13 =	vld [tilespmem:s15+$0x81F0]  }
0x4b: {  	v11 =	vld [tilespmem:s15+$0x8180]  }
0x4c: {  	v12 =	vld.idx.msk [tilespmem:v0+s7+$0x0], $0xffff  }
0x4d: {  	v6 =	vld.idx.msk [tilespmem:v1+s7+$0x0], $0xffff  }
0x4e: {  	v5 =	vld.idx.msk [tilespmem:v2+s7+$0x0], $0xffff  }
0x4f: {  	v4 =	vld.idx.msk [tilespmem:v3+s7+$0x0], $0xffff  }
0x50: {  	v3 =	vld.idx.msk [tilespmem:v7+s7+$0x0], $0xffff  }
0x51: {  	v2 =	vld.idx.msk [tilespmem:v8+s7+$0x0], $0xffff  }
0x52: {  	v1 =	vld.idx.msk [tilespmem:v9+s7+$0x0], $0xffff  }
0x53: {  	v0 =	vld.idx.msk [tilespmem:v10+s7+$0x0], $0xffff  }
0x54: {  	v10 =	vld [tilespmem:s15+$0x8190]  }
0x55: {  	v9 =	vld [tilespmem:s15+$0x81A0];
	v7 =	vmul.f32 v13, v12  }
0x56: {  	v8 =	vld [tilespmem:s15+$0x81B0]  }
0x57: {  	s16 =	simm.s32 $0x0;
	s17 =	simm.s32 $0x8;
	s18 =	simm.s32 $0x400;
	[tilespmem:s15+$0x101F0] =	vst v7;
	v7 =	vld [tilespmem:s15+$0x81C0]  }
.LBB2_2:
0x58: {  	s23 =	sand.u32 $0x3C00, s18;
	s24 =	sand.u32 $0x380, s17;
	s16 =	sadd.s32 $0x80, s16;
	v6 =	vmul.f32 v11, v6;
	v11 =	vld [tilespmem:s15+$0x81D0]  }
0x59: {  	s23 =	sor.u32 s24, s23;
	p0 =	slt.u32 s16, $0x3F80;
	v5 =	vmul.f32 v10, v5;
	v10 =	vld [tilespmem:s15+$0x81E0]  }
0x5a: {  	v12 =	vld [tilespmem:s23+$0x1F0];
	[tilespmem:s15+$0x10180] =	vst v6;
	v4 =	vmul.f32 v9, v4  }
0x5b: {  	v6 =	vld [tilespmem:s23+$0x180];
	[tilespmem:s15+$0x10190] =	vst v5;
	v3 =	vmul.f32 v8, v3  }
0x5c: {  	v5 =	vld [tilespmem:s23+$0x190];
	[tilespmem:s15+$0x101A0] =	vst v4;
	v2 =	vmul.f32 v7, v2  }
0x5d: {  	v4 =	vld [tilespmem:s23+$0x1A0];
	[tilespmem:s15+$0x101B0] =	vst v3;
	v1 =	vmul.f32 v11, v1  }
0x5e: {  	v3 =	vld [tilespmem:s23+$0x1B0];
	[tilespmem:s15+$0x101C0] =	vst v2;
	v0 =	vmul.f32 v10, v0  }
0x5f: {  	v2 =	vld [tilespmem:s23+$0x1C0];
	[tilespmem:s15+$0x101D0] =	vst v1  }
0x60: {  	v1 =	vld [tilespmem:s23+$0x1D0];
	[tilespmem:s15+$0x101E0] =	vst v0;
	s15 =	smov.u32 s23  }
0x61: {  	v0 =	vld [tilespmem:s15+$0x1E0]  }
0x62: {  	v7 =	vld.idx.msk [tilespmem:v12+s7+$0x0], $0xffff  }
0x63: {  	v8 =	vld [tilespmem:s15+$0x81F0]  }
0x64: {  	v6 =	vld.idx.msk [tilespmem:v6+s7+$0x0], $0xffff  }
0x65: {  	v5 =	vld.idx.msk [tilespmem:v5+s7+$0x0], $0xffff  }
0x66: {  	v4 =	vld.idx.msk [tilespmem:v4+s7+$0x0], $0xffff  }
0x67: {  	v3 =	vld.idx.msk [tilespmem:v3+s7+$0x0], $0xffff  }
0x68: {  	v2 =	vld.idx.msk [tilespmem:v2+s7+$0x0], $0xffff;
	v7 =	vmul.f32 v8, v7  }
0x69: {  	v1 =	vld.idx.msk [tilespmem:v1+s7+$0x0], $0xffff  }
0x6a: {  	v0 =	vld.idx.msk [tilespmem:v0+s7+$0x0], $0xffff;
	[tilespmem:s15+$0x101F0] =	vst v7  }
.Ltmp0:
0x6b: {  	v11 =	vld [tilespmem:s15+$0x8180];
	(pc) =	sbr.rel @p0 .LBB2_2-.Ltmp0, $4  }
0x6c: {  	v10 =	vld [tilespmem:s15+$0x8190]  }
0x6d: {  	v9 =	vld [tilespmem:s15+$0x81A0]  }
0x6e: {  	v8 =	vld [tilespmem:s15+$0x81B0]  }
0x6f: {  	s17 =	sadd.s32 $0x8, s17;
	s18 =	sadd.s32 $0x400, s18;
	v7 =	vld [tilespmem:s15+$0x81C0]  }
0x70: {  	v6 =	vmul.f32 v11, v6;
	v11 =	vld [tilespmem:s15+$0x81D0]  }
0x71: {  	v5 =	vmul.f32 v10, v5;
	v10 =	vld [tilespmem:s15+$0x81E0]  }
0x72: {  	[tilespmem:s15+$0x10180] =	vst v6;
	v4 =	vmul.f32 v9, v4  }
0x73: {  	[tilespmem:s15+$0x10190] =	vst v5;
	v3 =	vmul.f32 v8, v3  }
0x74: {  	[tilespmem:s15+$0x101A0] =	vst v4;
	v2 =	vmul.f32 v7, v2  }
0x75: {  	[tilespmem:s15+$0x101B0] =	vst v3;
	v1 =	vmul.f32 v11, v1  }
0x76: {  	[tilespmem:s15+$0x101C0] =	vst v2;
	v0 =	vmul.f32 v10, v0  }
0x77: {  	[tilespmem:s15+$0x101D0] =	vst v1  }
0x78: {  	[tilespmem:s15+$0x101E0] =	vst v0  }
0x79: {  	s23 =	simm.s32 $0x0;
	s13 =	rddreg [dreg:$0xa]  }
0x7a: {  	[hbm4b:s13+s23] =	stream.linear.scatter [tilespmem:s26], [sflag:$0x5], $0x4000, $0x38;
	[tilespmem:$0x18180] =	vst v63  }
0x7b: {  	s24 =	rddreg [dreg:$0xb]  }
0x7c: {  	[tilespmem:s30], [sflag:$0x1] =	stream.linear.gather [hbm4b:s24+s23], $0x4000, $0x38;
	[tilespmem:$0x18180] =	vst v63  }
0x7d: {  	s25 =	rddreg [dreg:$0xc]  }
0x7e: {  	[tilespmem:s31], [sflag:$0x3] =	stream.linear.gather [hbm4b:s25+s23], $0x4000, $0x38;
	[tilespmem:$0x18180] =	vst v63  }
0x7f: {  	_ =	swait.ge [sflag:s29], $0x4000  }
0x80: {  	[sflag:s29] =	ssyncset.done $0x0  }
0x81: {  	[sflag:s29] =	ssyncadd.s32 $0xFFFFC000  }
0x82: {  	_ =	swait.ge [sflag:s9], $0x4000  }
0x83: {  	s16 =	sand.u32 $0x3C00, s23;
	s15 =	sand.u32 $0x380, s23;
	[sflag:s9] =	ssyncset.done $0x0  }
0x84: {  	s15 =	sor.u32 s15, s16;
	[sflag:s9] =	ssyncadd.s32 $0xFFFFC000  }
0x85: {  	v0 =	vld [tilespmem:s15+$0x41F0]  }
0x86: {  	v1 =	vld [tilespmem:s15+$0x4180]  }
0x87: {  	v2 =	vld [tilespmem:s15+$0x4190]  }
0x88: {  	v3 =	vld [tilespmem:s15+$0x41A0]  }
0x89: {  	v7 =	vld [tilespmem:s15+$0x41B0]  }
0x8a: {  	v8 =	vld [tilespmem:s15+$0x41C0]  }
0x8b: {  	v9 =	vld [tilespmem:s15+$0x41D0]  }
0x8c: {  	v10 =	vld [tilespmem:s15+$0x41E0]  }
0x8d: {  	v13 =	vld [tilespmem:s15+$0xC1F0]  }
0x8e: {  	v11 =	vld [tilespmem:s15+$0xC180]  }
0x8f: {  	v12 =	vld.idx.msk [tilespmem:v0+s7+$0x0], $0xffff  }
0x90: {  	v6 =	vld.idx.msk [tilespmem:v1+s7+$0x0], $0xffff  }
0x91: {  	v5 =	vld.idx.msk [tilespmem:v2+s7+$0x0], $0xffff  }
0x92: {  	v4 =	vld.idx.msk [tilespmem:v3+s7+$0x0], $0xffff  }
0x93: {  	v3 =	vld.idx.msk [tilespmem:v7+s7+$0x0], $0xffff  }
0x94: {  	v2 =	vld.idx.msk [tilespmem:v8+s7+$0x0], $0xffff  }
0x95: {  	v1 =	vld.idx.msk [tilespmem:v9+s7+$0x0], $0xffff  }
0x96: {  	v0 =	vld.idx.msk [tilespmem:v10+s7+$0x0], $0xffff  }
0x97: {  	v10 =	vld [tilespmem:s15+$0xC190]  }
0x98: {  	v9 =	vld [tilespmem:s15+$0xC1A0];
	v7 =	vmul.f32 v13, v12  }
0x99: {  	v8 =	vld [tilespmem:s15+$0xC1B0]  }
0x9a: {  	s17 =	simm.s32 $0x8;
	s18 =	simm.s32 $0x400;
	s16 =	simm.s32 $0x0;
	[tilespmem:s15+$0x141F0] =	vst v7;
	v7 =	vld [tilespmem:s15+$0xC1C0]  }
.LBB2_4:
0x9b: {  	s23 =	sand.u32 $0x3C00, s18;
	s24 =	sand.u32 $0x380, s17;
	s16 =	sadd.s32 $0x80, s16;
	v6 =	vmul.f32 v11, v6;
	v11 =	vld [tilespmem:s15+$0xC1D0]  }
0x9c: {  	s23 =	sor.u32 s24, s23;
	p0 =	slt.u32 s16, $0x3F80;
	v5 =	vmul.f32 v10, v5;
	v10 =	vld [tilespmem:s15+$0xC1E0]  }
0x9d: {  	v12 =	vld [tilespmem:s23+$0x41F0];
	[tilespmem:s15+$0x14180] =	vst v6;
	v4 =	vmul.f32 v9, v4  }
0x9e: {  	v6 =	vld [tilespmem:s23+$0x4180];
	[tilespmem:s15+$0x14190] =	vst v5;
	v3 =	vmul.f32 v8, v3  }
0x9f: {  	v5 =	vld [tilespmem:s23+$0x4190];
	[tilespmem:s15+$0x141A0] =	vst v4;
	v2 =	vmul.f32 v7, v2  }
0xa0: {  	v4 =	vld [tilespmem:s23+$0x41A0];
	[tilespmem:s15+$0x141B0] =	vst v3;
	v1 =	vmul.f32 v11, v1  }
0xa1: {  	v3 =	vld [tilespmem:s23+$0x41B0];
	[tilespmem:s15+$0x141C0] =	vst v2;
	v0 =	vmul.f32 v10, v0  }
0xa2: {  	v2 =	vld [tilespmem:s23+$0x41C0];
	[tilespmem:s15+$0x141D0] =	vst v1  }
0xa3: {  	v1 =	vld [tilespmem:s23+$0x41D0];
	[tilespmem:s15+$0x141E0] =	vst v0;
	s15 =	smov.u32 s23  }
0xa4: {  	v0 =	vld [tilespmem:s15+$0x41E0]  }
0xa5: {  	v7 =	vld.idx.msk [tilespmem:v12+s7+$0x0], $0xffff  }
0xa6: {  	v8 =	vld [tilespmem:s15+$0xC1F0]  }
0xa7: {  	v6 =	vld.idx.msk [tilespmem:v6+s7+$0x0], $0xffff  }
0xa8: {  	v5 =	vld.idx.msk [tilespmem:v5+s7+$0x0], $0xffff  }
0xa9: {  	v4 =	vld.idx.msk [tilespmem:v4+s7+$0x0], $0xffff  }
0xaa: {  	v3 =	vld.idx.msk [tilespmem:v3+s7+$0x0], $0xffff  }
0xab: {  	v2 =	vld.idx.msk [tilespmem:v2+s7+$0x0], $0xffff;
	v7 =	vmul.f32 v8, v7  }
0xac: {  	v1 =	vld.idx.msk [tilespmem:v1+s7+$0x0], $0xffff  }
0xad: {  	v0 =	vld.idx.msk [tilespmem:v0+s7+$0x0], $0xffff;
	[tilespmem:s15+$0x141F0] =	vst v7  }
.Ltmp1:
0xae: {  	v11 =	vld [tilespmem:s15+$0xC180];
	(pc) =	sbr.rel @p0 .LBB2_4-.Ltmp1, $4  }
0xaf: {  	v10 =	vld [tilespmem:s15+$0xC190]  }
0xb0: {  	v9 =	vld [tilespmem:s15+$0xC1A0]  }
0xb1: {  	v8 =	vld [tilespmem:s15+$0xC1B0]  }
0xb2: {  	s17 =	sadd.s32 $0x8, s17;
	s18 =	sadd.s32 $0x400, s18;
	v7 =	vld [tilespmem:s15+$0xC1C0]  }
0xb3: {  	v6 =	vmul.f32 v11, v6;
	v62 =	vld [tilespmem:s15+$0xC1D0]  }
0xb4: {  	v63 =	vld [tilespmem:s15+$0xC1E0];
	v5 =	vmul.f32 v10, v5  }
0xb5: {  	[tilespmem:s15+$0x14180] =	vst v6;
	v4 =	vmul.f32 v9, v4  }
0xb6: {  	[tilespmem:s15+$0x14190] =	vst v5;
	v3 =	vmul.f32 v8, v3  }
0xb7: {  	[tilespmem:s15+$0x141A0] =	vst v4;
	v2 =	vmul.f32 v7, v2  }
0xb8: {  	[tilespmem:s15+$0x141B0] =	vst v3;
	v1 =	vmul.f32 v62, v1  }
0xb9: {  	v0 =	vmul.f32 v63, v0;
	[tilespmem:s15+$0x141C0] =	vst v2  }
0xba: {  	[tilespmem:s15+$0x141D0] =	vst v1  }
0xbb: {  	[tilespmem:s15+$0x141E0] =	vst v0  }
0xbc: {  	s13 =	rddreg [dreg:$0xd]  }
0xbd: {  	[hbm4b:s13+s7] =	stream.linear.scatter [tilespmem:s10], [sflag:$0x6], $0x4000, $0x38;
	[tilespmem:$0x18180] =	vst v63  }
0xbe: {  	s24 =	rddreg [dreg:$0xe]  }
0xbf: {  	[tilespmem:s0], [sflag:$0x2] =	stream.linear.gather [hbm4b:s24+s7], $0x4000, $0x38;
	[tilespmem:$0x18180] =	vst v63  }
0xc0: {  	s15 =	simm.s32 $0x1;
	s25 =	rddreg [dreg:$0xf]  }
0xc1: {  	[tilespmem:s5], [sflag:$0x4] =	stream.linear.gather [hbm4b:s25+s7], $0x4000, $0x38;
	[tilespmem:$0x18180] =	vst v63  }
.LBB2_6:
0xc2: {  	_ =	swait.ge [sflag:s3], $0x4000  }
0xc3: {  	[sflag:s3] =	ssyncset.done $0x0  }
0xc4: {  	[sflag:s3] =	ssyncadd.s32 $0xFFFFC000  }
0xc5: {  	_ =	swait.ge [sflag:s4], $0x4000  }
0xc6: {  	[sflag:s4] =	ssyncset.done $0x0  }
0xc7: {  	[sflag:s4] =	ssyncadd.s32 $0xFFFFC000  }
0xc8: {  	s16 =	simm.s32 $0x0;
	_ =	swait.ge [sflag:s11], $0x4000  }
0xc9: {  	s17 =	sand.u32 $0x3C00, s16;
	s16 =	sand.u32 $0x380, s16;
	[sflag:s11] =	ssyncset.done $0x0  }
0xca: {  	s17 =	sor.u32 s16, s17;
	[sflag:s11] =	ssyncadd.s32 $0xFFFFC000  }
0xcb: {  	v0 =	vld [tilespmem:s17+$0x1F0]  }
0xcc: {  	v1 =	vld [tilespmem:s17+$0x180]  }
0xcd: {  	v2 =	vld [tilespmem:s17+$0x190]  }
0xce: {  	v3 =	vld [tilespmem:s17+$0x1A0]  }
0xcf: {  	v7 =	vld [tilespmem:s17+$0x1B0]  }
0xd0: {  	v8 =	vld [tilespmem:s17+$0x1C0]  }
0xd1: {  	v9 =	vld [tilespmem:s17+$0x1D0]  }
0xd2: {  	v10 =	vld [tilespmem:s17+$0x1E0]  }
0xd3: {  	v13 =	vld [tilespmem:s17+$0x81F0]  }
0xd4: {  	v11 =	vld [tilespmem:s17+$0x8180]  }
0xd5: {  	v12 =	vld.idx.msk [tilespmem:v0+s7+$0x0], $0xffff  }
0xd6: {  	v6 =	vld.idx.msk [tilespmem:v1+s7+$0x0], $0xffff  }
0xd7: {  	v5 =	vld.idx.msk [tilespmem:v2+s7+$0x0], $0xffff  }
0xd8: {  	v4 =	vld.idx.msk [tilespmem:v3+s7+$0x0], $0xffff  }
0xd9: {  	v3 =	vld.idx.msk [tilespmem:v7+s7+$0x0], $0xffff  }
0xda: {  	v2 =	vld.idx.msk [tilespmem:v8+s7+$0x0], $0xffff  }
0xdb: {  	v1 =	vld.idx.msk [tilespmem:v9+s7+$0x0], $0xffff  }
0xdc: {  	v0 =	vld.idx.msk [tilespmem:v10+s7+$0x0], $0xffff  }
0xdd: {  	v10 =	vld [tilespmem:s17+$0x8190]  }
0xde: {  	v9 =	vld [tilespmem:s17+$0x81A0];
	v7 =	vmul.f32 v13, v12  }
0xdf: {  	v8 =	vld [tilespmem:s17+$0x81B0]  }
0xe0: {  	s18 =	simm.s32 $0x8;
	s23 =	simm.s32 $0x400;
	s16 =	simm.s32 $0x0;
	[tilespmem:s17+$0x101F0] =	vst v7;
	v7 =	vld [tilespmem:s17+$0x81C0]  }
.LBB2_7:
0xe1: {  	s24 =	sand.u32 $0x3C00, s23;
	s25 =	sand.u32 $0x380, s18;
	s16 =	sadd.s32 $0x80, s16;
	v6 =	vmul.f32 v11, v6;
	v11 =	vld [tilespmem:s17+$0x81D0]  }
0xe2: {  	s24 =	sor.u32 s25, s24;
	p0 =	slt.u32 s16, $0x3F80;
	v5 =	vmul.f32 v10, v5;
	v10 =	vld [tilespmem:s17+$0x81E0]  }
0xe3: {  	v12 =	vld [tilespmem:s24+$0x1F0];
	[tilespmem:s17+$0x10180] =	vst v6;
	v4 =	vmul.f32 v9, v4  }
0xe4: {  	v6 =	vld [tilespmem:s24+$0x180];
	[tilespmem:s17+$0x10190] =	vst v5;
	v3 =	vmul.f32 v8, v3  }
0xe5: {  	v5 =	vld [tilespmem:s24+$0x190];
	[tilespmem:s17+$0x101A0] =	vst v4;
	v2 =	vmul.f32 v7, v2  }
0xe6: {  	v4 =	vld [tilespmem:s24+$0x1A0];
	[tilespmem:s17+$0x101B0] =	vst v3;
	v1 =	vmul.f32 v11, v1  }
0xe7: {  	v3 =	vld [tilespmem:s24+$0x1B0];
	[tilespmem:s17+$0x101C0] =	vst v2;
	v0 =	vmul.f32 v10, v0  }
0xe8: {  	v2 =	vld [tilespmem:s24+$0x1C0];
	[tilespmem:s17+$0x101D0] =	vst v1  }
0xe9: {  	v1 =	vld [tilespmem:s24+$0x1D0];
	[tilespmem:s17+$0x101E0] =	vst v0;
	s17 =	smov.u32 s24  }
0xea: {  	v0 =	vld [tilespmem:s17+$0x1E0]  }
0xeb: {  	v7 =	vld.idx.msk [tilespmem:v12+s7+$0x0], $0xffff  }
0xec: {  	v8 =	vld [tilespmem:s17+$0x81F0]  }
0xed: {  	v6 =	vld.idx.msk [tilespmem:v6+s7+$0x0], $0xffff  }
0xee: {  	v5 =	vld.idx.msk [tilespmem:v5+s7+$0x0], $0xffff  }
0xef: {  	v4 =	vld.idx.msk [tilespmem:v4+s7+$0x0], $0xffff  }
0xf0: {  	v3 =	vld.idx.msk [tilespmem:v3+s7+$0x0], $0xffff  }
0xf1: {  	v2 =	vld.idx.msk [tilespmem:v2+s7+$0x0], $0xffff;
	v7 =	vmul.f32 v8, v7  }
0xf2: {  	v1 =	vld.idx.msk [tilespmem:v1+s7+$0x0], $0xffff  }
0xf3: {  	v0 =	vld.idx.msk [tilespmem:v0+s7+$0x0], $0xffff;
	[tilespmem:s17+$0x101F0] =	vst v7  }
.Ltmp2:
0xf4: {  	v11 =	vld [tilespmem:s17+$0x8180];
	(pc) =	sbr.rel @p0 .LBB2_7-.Ltmp2, $4  }
0xf5: {  	v10 =	vld [tilespmem:s17+$0x8190]  }
0xf6: {  	v9 =	vld [tilespmem:s17+$0x81A0]  }
0xf7: {  	v8 =	vld [tilespmem:s17+$0x81B0]  }
0xf8: {  	s18 =	sadd.s32 $0x8, s18;
	s23 =	sadd.s32 $0x400, s23;
	v7 =	vld [tilespmem:s17+$0x81C0]  }
0xf9: {  	v6 =	vmul.f32 v11, v6;
	v11 =	vld [tilespmem:s17+$0x81D0]  }
0xfa: {  	v5 =	vmul.f32 v10, v5;
	v10 =	vld [tilespmem:s17+$0x81E0]  }
0xfb: {  	[tilespmem:s17+$0x10180] =	vst v6;
	v4 =	vmul.f32 v9, v4  }
0xfc: {  	[tilespmem:s17+$0x10190] =	vst v5;
	v3 =	vmul.f32 v8, v3  }
0xfd: {  	[tilespmem:s17+$0x101A0] =	vst v4;
	v2 =	vmul.f32 v7, v2  }
0xfe: {  	s16 =	sshll.u32 s15, $0x1;
	[tilespmem:s17+$0x101B0] =	vst v3;
	v1 =	vmul.f32 v11, v1  }
0xff: {  	s18 =	sadd.s32 s8, s16;
	[tilespmem:s17+$0x101C0] =	vst v2;
	v0 =	vmul.f32 v10, v0  }
0x100: {  	s24 =	sadd.s32 s16, s19;
	s18 =	sshll.u32 s18, $0xB;
	[tilespmem:s17+$0x101D0] =	vst v1  }
0x101: {  	s13 =	simm.s32 $0x0;
	s25 =	sadd.s32 s6, s18;
	[tilespmem:s17+$0x101E0] =	vst v0;
	s17 =	sshll.u32 s24, $0xB  }
0x102: {  	[hbm4b:s25+s13] =	stream.linear.scatter [tilespmem:s26], [sflag:$0x5], $0x4000, $0x38;
	[tilespmem:$0x18180] =	vst v63  }
0x103: {  	s23 =	sadd.s32 s1, s17  }
0x104: {  	[tilespmem:s30], [sflag:$0x1] =	stream.linear.gather [hbm4b:s23+s13], $0x4000, $0x38;
	[tilespmem:$0x18180] =	vst v63  }
0x105: {  	s17 =	sadd.s32 s2, s17  }
0x106: {  	[tilespmem:s31], [sflag:$0x3] =	stream.linear.gather [hbm4b:s17+s13], $0x4000, $0x38;
	[tilespmem:$0x18180] =	vst v63  }
0x107: {  	_ =	swait.ge [sflag:s29], $0x4000  }
0x108: {  	[sflag:s29] =	ssyncset.done $0x0  }
0x109: {  	[sflag:s29] =	ssyncadd.s32 $0xFFFFC000  }
0x10a: {  	_ =	swait.ge [sflag:s9], $0x4000  }
0x10b: {  	[sflag:s9] =	ssyncset.done $0x0  }
0x10c: {  	[sflag:s9] =	ssyncadd.s32 $0xFFFFC000  }
0x10d: {  	_ =	swait.ge [sflag:s12], $0x4000  }
0x10e: {  	s18 =	sand.u32 $0x380, s13;
	s25 =	sand.u32 $0x3C00, s13;
	[sflag:s12] =	ssyncset.done $0x0  }
0x10f: {  	s17 =	sor.u32 s18, s25;
	[sflag:s12] =	ssyncadd.s32 $0xFFFFC000  }
0x110: {  	v0 =	vld [tilespmem:s17+$0x41F0]  }
0x111: {  	v1 =	vld [tilespmem:s17+$0x4180]  }
0x112: {  	v2 =	vld [tilespmem:s17+$0x4190]  }
0x113: {  	v3 =	vld [tilespmem:s17+$0x41A0]  }
0x114: {  	v7 =	vld [tilespmem:s17+$0x41B0]  }
0x115: {  	v8 =	vld [tilespmem:s17+$0x41C0]  }
0x116: {  	v9 =	vld [tilespmem:s17+$0x41D0]  }
0x117: {  	v10 =	vld [tilespmem:s17+$0x41E0]  }
0x118: {  	v13 =	vld [tilespmem:s17+$0xC1F0]  }
0x119: {  	v11 =	vld [tilespmem:s17+$0xC180]  }
0x11a: {  	v12 =	vld.idx.msk [tilespmem:v0+s7+$0x0], $0xffff  }
0x11b: {  	v6 =	vld.idx.msk [tilespmem:v1+s7+$0x0], $0xffff  }
0x11c: {  	v5 =	vld.idx.msk [tilespmem:v2+s7+$0x0], $0xffff  }
0x11d: {  	v4 =	vld.idx.msk [tilespmem:v3+s7+$0x0], $0xffff  }
0x11e: {  	v3 =	vld.idx.msk [tilespmem:v7+s7+$0x0], $0xffff  }
0x11f: {  	v2 =	vld.idx.msk [tilespmem:v8+s7+$0x0], $0xffff  }
0x120: {  	v1 =	vld.idx.msk [tilespmem:v9+s7+$0x0], $0xffff  }
0x121: {  	v0 =	vld.idx.msk [tilespmem:v10+s7+$0x0], $0xffff  }
0x122: {  	v10 =	vld [tilespmem:s17+$0xC190]  }
0x123: {  	v9 =	vld [tilespmem:s17+$0xC1A0];
	v7 =	vmul.f32 v13, v12  }
0x124: {  	v8 =	vld [tilespmem:s17+$0xC1B0]  }
0x125: {  	s24 =	simm.s32 $0x400;
	s23 =	simm.s32 $0x8;
	s18 =	simm.s32 $0x0;
	[tilespmem:s17+$0x141F0] =	vst v7;
	v7 =	vld [tilespmem:s17+$0xC1C0]  }
.LBB2_9:
0x126: {  	s25 =	sand.u32 $0x3C00, s24;
	s13 =	sand.u32 $0x380, s23;
	s18 =	sadd.s32 $0x80, s18;
	v6 =	vmul.f32 v11, v6;
	v11 =	vld [tilespmem:s17+$0xC1D0]  }
0x127: {  	s13 =	sor.u32 s13, s25;
	p0 =	slt.u32 s18, $0x3F80;
	v5 =	vmul.f32 v10, v5;
	v10 =	vld [tilespmem:s17+$0xC1E0]  }
0x128: {  	v12 =	vld [tilespmem:s13+$0x41F0];
	[tilespmem:s17+$0x14180] =	vst v6;
	v4 =	vmul.f32 v9, v4  }
0x129: {  	v6 =	vld [tilespmem:s13+$0x4180];
	[tilespmem:s17+$0x14190] =	vst v5;
	v3 =	vmul.f32 v8, v3  }
0x12a: {  	v5 =	vld [tilespmem:s13+$0x4190];
	[tilespmem:s17+$0x141A0] =	vst v4;
	v2 =	vmul.f32 v7, v2  }
0x12b: {  	v4 =	vld [tilespmem:s13+$0x41A0];
	[tilespmem:s17+$0x141B0] =	vst v3;
	v1 =	vmul.f32 v11, v1  }
0x12c: {  	v3 =	vld [tilespmem:s13+$0x41B0];
	[tilespmem:s17+$0x141C0] =	vst v2;
	v0 =	vmul.f32 v10, v0  }
0x12d: {  	v2 =	vld [tilespmem:s13+$0x41C0];
	[tilespmem:s17+$0x141D0] =	vst v1  }
0x12e: {  	v1 =	vld [tilespmem:s13+$0x41D0];
	[tilespmem:s17+$0x141E0] =	vst v0;
	s17 =	smov.u32 s13  }
0x12f: {  	v0 =	vld [tilespmem:s17+$0x41E0]  }
0x130: {  	v7 =	vld.idx.msk [tilespmem:v12+s7+$0x0], $0xffff  }
0x131: {  	v8 =	vld [tilespmem:s17+$0xC1F0]  }
0x132: {  	v6 =	vld.idx.msk [tilespmem:v6+s7+$0x0], $0xffff  }
0x133: {  	v5 =	vld.idx.msk [tilespmem:v5+s7+$0x0], $0xffff  }
0x134: {  	v4 =	vld.idx.msk [tilespmem:v4+s7+$0x0], $0xffff  }
0x135: {  	v3 =	vld.idx.msk [tilespmem:v3+s7+$0x0], $0xffff  }
0x136: {  	v2 =	vld.idx.msk [tilespmem:v2+s7+$0x0], $0xffff;
	v7 =	vmul.f32 v8, v7  }
0x137: {  	v1 =	vld.idx.msk [tilespmem:v1+s7+$0x0], $0xffff  }
0x138: {  	v0 =	vld.idx.msk [tilespmem:v0+s7+$0x0], $0xffff;
	[tilespmem:s17+$0x141F0] =	vst v7  }
.Ltmp3:
0x139: {  	v11 =	vld [tilespmem:s17+$0xC180];
	(pc) =	sbr.rel @p0 .LBB2_9-.Ltmp3, $4  }
0x13a: {  	v10 =	vld [tilespmem:s17+$0xC190]  }
0x13b: {  	v9 =	vld [tilespmem:s17+$0xC1A0]  }
0x13c: {  	v8 =	vld [tilespmem:s17+$0xC1B0]  }
0x13d: {  	s23 =	sadd.s32 $0x8, s23;
	s24 =	sadd.s32 $0x400, s24;
	v7 =	vld [tilespmem:s17+$0xC1C0]  }
0x13e: {  	v6 =	vmul.f32 v11, v6;
	v62 =	vld [tilespmem:s17+$0xC1D0]  }
0x13f: {  	v63 =	vld [tilespmem:s17+$0xC1E0];
	v5 =	vmul.f32 v10, v5  }
0x140: {  	[tilespmem:s17+$0x14180] =	vst v6;
	v4 =	vmul.f32 v9, v4  }
0x141: {  	[tilespmem:s17+$0x14190] =	vst v5;
	v3 =	vmul.f32 v8, v3  }
0x142: {  	[tilespmem:s17+$0x141A0] =	vst v4;
	v2 =	vmul.f32 v7, v2  }
0x143: {  	[tilespmem:s17+$0x141B0] =	vst v3;
	v1 =	vmul.f32 v62, v1  }
0x144: {  	s13 =	sadd.s32 s20, s15;
	v0 =	vmul.f32 v63, v0;
	[tilespmem:s17+$0x141C0] =	vst v2  }
0x145: {  	s15 =	sadd.s32 $0x1, s15;
	s13 =	sshll.u32 s13, $0xC;
	[tilespmem:s17+$0x141D0] =	vst v1  }
0x146: {  	s24 =	sadd.s32 s16, s22;
	p0 =	sne.s32 s15, $0xF;
	s13 =	sadd.s32 s13, s21;
	[tilespmem:s17+$0x141E0] =	vst v0  }
0x147: {  	[hbm4b:s13+s7] =	stream.linear.scatter [tilespmem:s10], [sflag:$0x6], $0x4000, $0x38;
	[tilespmem:$0x18180] =	vst v63  }
.Ltmp4:
0x148: {  	s13 =	sshll.u32 s24, $0xB;
	(pc) =	sbr.rel @p0 .LBB2_6-.Ltmp4, $4  }
0x149: {  	s25 =	sadd.s32 s1, s13  }
0x14a: {  	[tilespmem:s0], [sflag:$0x2] =	stream.linear.gather [hbm4b:s25+s7], $0x4000, $0x38;
	[tilespmem:$0x18180] =	vst v63  }
0x14b: {  	s13 =	sadd.s32 s2, s13  }
0x14c: {  	[tilespmem:s5], [sflag:$0x4] =	stream.linear.gather [hbm4b:s13+s7], $0x4000, $0x38;
	[tilespmem:$0x18180] =	vst v63  }
0x14d: {  	_ =	swait.ge [sflag:s3], $0x4000  }
0x14e: {  	[sflag:s3] =	ssyncset.done $0x0  }
0x14f: {  	[sflag:s3] =	ssyncadd.s32 $0xFFFFC000  }
0x150: {  	_ =	swait.ge [sflag:s4], $0x4000  }
0x151: {  	[sflag:s4] =	ssyncset.done $0x0  }
0x152: {  	[sflag:s4] =	ssyncadd.s32 $0xFFFFC000  }
0x153: {  	s13 =	simm.s32 $0x0;
	_ =	swait.ge [sflag:s11], $0x4000  }
0x154: {  	s15 =	sand.u32 $0x3C00, s13;
	s13 =	sand.u32 $0x380, s13;
	[sflag:s11] =	ssyncset.done $0x0  }
0x155: {  	s15 =	sor.u32 s13, s15;
	[sflag:s11] =	ssyncadd.s32 $0xFFFFC000  }
0x156: {  	v0 =	vld [tilespmem:s15+$0x1F0]  }
0x157: {  	v1 =	vld [tilespmem:s15+$0x180]  }
0x158: {  	v2 =	vld [tilespmem:s15+$0x190]  }
0x159: {  	v3 =	vld [tilespmem:s15+$0x1A0]  }
0x15a: {  	v7 =	vld [tilespmem:s15+$0x1B0]  }
0x15b: {  	v8 =	vld [tilespmem:s15+$0x1C0]  }
0x15c: {  	v9 =	vld [tilespmem:s15+$0x1D0]  }
0x15d: {  	v10 =	vld [tilespmem:s15+$0x1E0]  }
0x15e: {  	v13 =	vld [tilespmem:s15+$0x81F0]  }
0x15f: {  	v11 =	vld [tilespmem:s15+$0x8180]  }
0x160: {  	v12 =	vld.idx.msk [tilespmem:v0+s7+$0x0], $0xffff  }
0x161: {  	v6 =	vld.idx.msk [tilespmem:v1+s7+$0x0], $0xffff  }
0x162: {  	v5 =	vld.idx.msk [tilespmem:v2+s7+$0x0], $0xffff  }
0x163: {  	v4 =	vld.idx.msk [tilespmem:v3+s7+$0x0], $0xffff  }
0x164: {  	v3 =	vld.idx.msk [tilespmem:v7+s7+$0x0], $0xffff  }
0x165: {  	v2 =	vld.idx.msk [tilespmem:v8+s7+$0x0], $0xffff  }
0x166: {  	v1 =	vld.idx.msk [tilespmem:v9+s7+$0x0], $0xffff  }
0x167: {  	v0 =	vld.idx.msk [tilespmem:v10+s7+$0x0], $0xffff  }
0x168: {  	v10 =	vld [tilespmem:s15+$0x8190]  }
0x169: {  	v9 =	vld [tilespmem:s15+$0x81A0];
	v7 =	vmul.f32 v13, v12  }
0x16a: {  	v8 =	vld [tilespmem:s15+$0x81B0]  }
0x16b: {  	s16 =	simm.s32 $0x0;
	s17 =	simm.s32 $0x8;
	s18 =	simm.s32 $0x400;
	[tilespmem:s15+$0x101F0] =	vst v7;
	v7 =	vld [tilespmem:s15+$0x81C0]  }
.LBB2_12:
0x16c: {  	s13 =	sand.u32 $0x3C00, s18;
	s23 =	sand.u32 $0x380, s17;
	s16 =	sadd.s32 $0x80, s16;
	v6 =	vmul.f32 v11, v6;
	v11 =	vld [tilespmem:s15+$0x81D0]  }
0x16d: {  	s13 =	sor.u32 s23, s13;
	p0 =	slt.u32 s16, $0x3F80;
	v5 =	vmul.f32 v10, v5;
	v10 =	vld [tilespmem:s15+$0x81E0]  }
0x16e: {  	v12 =	vld [tilespmem:s13+$0x1F0];
	[tilespmem:s15+$0x10180] =	vst v6;
	v4 =	vmul.f32 v9, v4  }
0x16f: {  	v6 =	vld [tilespmem:s13+$0x180];
	[tilespmem:s15+$0x10190] =	vst v5;
	v3 =	vmul.f32 v8, v3  }
0x170: {  	v5 =	vld [tilespmem:s13+$0x190];
	[tilespmem:s15+$0x101A0] =	vst v4;
	v2 =	vmul.f32 v7, v2  }
0x171: {  	v4 =	vld [tilespmem:s13+$0x1A0];
	[tilespmem:s15+$0x101B0] =	vst v3;
	v1 =	vmul.f32 v11, v1  }
0x172: {  	v3 =	vld [tilespmem:s13+$0x1B0];
	[tilespmem:s15+$0x101C0] =	vst v2;
	v0 =	vmul.f32 v10, v0  }
0x173: {  	v2 =	vld [tilespmem:s13+$0x1C0];
	[tilespmem:s15+$0x101D0] =	vst v1  }
0x174: {  	v1 =	vld [tilespmem:s13+$0x1D0];
	[tilespmem:s15+$0x101E0] =	vst v0;
	s15 =	smov.u32 s13  }
0x175: {  	v0 =	vld [tilespmem:s15+$0x1E0]  }
0x176: {  	v7 =	vld.idx.msk [tilespmem:v12+s7+$0x0], $0xffff  }
0x177: {  	v8 =	vld [tilespmem:s15+$0x81F0]  }
0x178: {  	v6 =	vld.idx.msk [tilespmem:v6+s7+$0x0], $0xffff  }
0x179: {  	v5 =	vld.idx.msk [tilespmem:v5+s7+$0x0], $0xffff  }
0x17a: {  	v4 =	vld.idx.msk [tilespmem:v4+s7+$0x0], $0xffff  }
0x17b: {  	v3 =	vld.idx.msk [tilespmem:v3+s7+$0x0], $0xffff  }
0x17c: {  	v2 =	vld.idx.msk [tilespmem:v2+s7+$0x0], $0xffff;
	v7 =	vmul.f32 v8, v7  }
0x17d: {  	v1 =	vld.idx.msk [tilespmem:v1+s7+$0x0], $0xffff  }
0x17e: {  	v0 =	vld.idx.msk [tilespmem:v0+s7+$0x0], $0xffff;
	[tilespmem:s15+$0x101F0] =	vst v7  }
.Ltmp5:
0x17f: {  	v11 =	vld [tilespmem:s15+$0x8180];
	(pc) =	sbr.rel @p0 .LBB2_12-.Ltmp5, $4  }
0x180: {  	v10 =	vld [tilespmem:s15+$0x8190]  }
0x181: {  	v9 =	vld [tilespmem:s15+$0x81A0]  }
0x182: {  	v8 =	vld [tilespmem:s15+$0x81B0]  }
0x183: {  	s17 =	sadd.s32 $0x8, s17;
	s18 =	sadd.s32 $0x400, s18;
	v7 =	vld [tilespmem:s15+$0x81C0]  }
0x184: {  	v6 =	vmul.f32 v11, v6;
	v11 =	vld [tilespmem:s15+$0x81D0]  }
0x185: {  	v5 =	vmul.f32 v10, v5;
	v10 =	vld [tilespmem:s15+$0x81E0]  }
0x186: {  	[tilespmem:s15+$0x10180] =	vst v6;
	v4 =	vmul.f32 v9, v4  }
0x187: {  	[tilespmem:s15+$0x10190] =	vst v5;
	v3 =	vmul.f32 v8, v3  }
0x188: {  	[tilespmem:s15+$0x101A0] =	vst v4;
	v2 =	vmul.f32 v7, v2  }
0x189: {  	[tilespmem:s15+$0x101B0] =	vst v3;
	v1 =	vmul.f32 v11, v1  }
0x18a: {  	[tilespmem:s15+$0x101C0] =	vst v2;
	v0 =	vmul.f32 v10, v0  }
0x18b: {  	[tilespmem:s15+$0x101D0] =	vst v1  }
0x18c: {  	[tilespmem:s15+$0x101E0] =	vst v0  }
0x18d: {  	s13 =	simm.s32 $0x0;
	s15 =	rddreg [dreg:$0x10]  }
0x18e: {  	[hbm4b:s15+s13] =	stream.linear.scatter [tilespmem:s26], [sflag:$0x5], $0x4000, $0x38;
	[tilespmem:$0x18180] =	vst v63  }
0x18f: {  	_ =	swait.ge [sflag:s29], $0x4000  }
0x190: {  	[sflag:s29] =	ssyncset.done $0x0  }
0x191: {  	[sflag:s29] =	ssyncadd.s32 $0xFFFFC000  }
0x192: {  	_ =	swait.ge [sflag:s9], $0x4000  }
0x193: {  	[sflag:s9] =	ssyncset.done $0x0  }
0x194: {  	[sflag:s9] =	ssyncadd.s32 $0xFFFFC000  }
0x195: {  	_ =	swait.ge [sflag:s12], $0x4000  }
0x196: {  	s25 =	sand.u32 $0x3C00, s13;
	s13 =	sand.u32 $0x380, s13;
	[sflag:s12] =	ssyncset.done $0x0  }
0x197: {  	s15 =	sor.u32 s13, s25;
	[sflag:s12] =	ssyncadd.s32 $0xFFFFC000  }
0x198: {  	v0 =	vld [tilespmem:s15+$0x41F0]  }
0x199: {  	v1 =	vld [tilespmem:s15+$0x4180]  }
0x19a: {  	v2 =	vld [tilespmem:s15+$0x4190]  }
0x19b: {  	v3 =	vld [tilespmem:s15+$0x41A0]  }
0x19c: {  	v7 =	vld [tilespmem:s15+$0x41B0]  }
0x19d: {  	v8 =	vld [tilespmem:s15+$0x41C0]  }
0x19e: {  	v9 =	vld [tilespmem:s15+$0x41D0]  }
0x19f: {  	v10 =	vld [tilespmem:s15+$0x41E0]  }
0x1a0: {  	v13 =	vld [tilespmem:s15+$0xC1F0]  }
0x1a1: {  	v11 =	vld [tilespmem:s15+$0xC180]  }
0x1a2: {  	v12 =	vld.idx.msk [tilespmem:v0+s7+$0x0], $0xffff  }
0x1a3: {  	v6 =	vld.idx.msk [tilespmem:v1+s7+$0x0], $0xffff  }
0x1a4: {  	v5 =	vld.idx.msk [tilespmem:v2+s7+$0x0], $0xffff  }
0x1a5: {  	v4 =	vld.idx.msk [tilespmem:v3+s7+$0x0], $0xffff  }
0x1a6: {  	v3 =	vld.idx.msk [tilespmem:v7+s7+$0x0], $0xffff  }
0x1a7: {  	v2 =	vld.idx.msk [tilespmem:v8+s7+$0x0], $0xffff  }
0x1a8: {  	v1 =	vld.idx.msk [tilespmem:v9+s7+$0x0], $0xffff  }
0x1a9: {  	v0 =	vld.idx.msk [tilespmem:v10+s7+$0x0], $0xffff  }
0x1aa: {  	v10 =	vld [tilespmem:s15+$0xC190]  }
0x1ab: {  	v9 =	vld [tilespmem:s15+$0xC1A0];
	v7 =	vmul.f32 v13, v12  }
0x1ac: {  	v8 =	vld [tilespmem:s15+$0xC1B0]  }
0x1ad: {  	s16 =	simm.s32 $0x0;
	s17 =	simm.s32 $0x8;
	s18 =	simm.s32 $0x400;
	[tilespmem:s15+$0x141F0] =	vst v7;
	v7 =	vld [tilespmem:s15+$0xC1C0]  }
.LBB2_14:
0x1ae: {  	s13 =	sand.u32 $0x3C00, s18;
	s23 =	sand.u32 $0x380, s17;
	s16 =	sadd.s32 $0x80, s16;
	v6 =	vmul.f32 v11, v6;
	v11 =	vld [tilespmem:s15+$0xC1D0]  }
0x1af: {  	s13 =	sor.u32 s23, s13;
	p0 =	slt.u32 s16, $0x3F80;
	v5 =	vmul.f32 v10, v5;
	v10 =	vld [tilespmem:s15+$0xC1E0]  }
0x1b0: {  	v12 =	vld [tilespmem:s13+$0x41F0];
	[tilespmem:s15+$0x14180] =	vst v6;
	v4 =	vmul.f32 v9, v4  }
0x1b1: {  	v6 =	vld [tilespmem:s13+$0x4180];
	[tilespmem:s15+$0x14190] =	vst v5;
	v3 =	vmul.f32 v8, v3  }
0x1b2: {  	v5 =	vld [tilespmem:s13+$0x4190];
	[tilespmem:s15+$0x141A0] =	vst v4;
	v2 =	vmul.f32 v7, v2  }
0x1b3: {  	v4 =	vld [tilespmem:s13+$0x41A0];
	[tilespmem:s15+$0x141B0] =	vst v3;
	v1 =	vmul.f32 v11, v1  }
0x1b4: {  	v3 =	vld [tilespmem:s13+$0x41B0];
	[tilespmem:s15+$0x141C0] =	vst v2;
	v0 =	vmul.f32 v10, v0  }
0x1b5: {  	v2 =	vld [tilespmem:s13+$0x41C0];
	[tilespmem:s15+$0x141D0] =	vst v1  }
0x1b6: {  	v1 =	vld [tilespmem:s13+$0x41D0];
	[tilespmem:s15+$0x141E0] =	vst v0;
	s15 =	smov.u32 s13  }
0x1b7: {  	v0 =	vld [tilespmem:s15+$0x41E0]  }
0x1b8: {  	v7 =	vld.idx.msk [tilespmem:v12+s7+$0x0], $0xffff  }
0x1b9: {  	v8 =	vld [tilespmem:s15+$0xC1F0]  }
0x1ba: {  	v6 =	vld.idx.msk [tilespmem:v6+s7+$0x0], $0xffff  }
0x1bb: {  	v5 =	vld.idx.msk [tilespmem:v5+s7+$0x0], $0xffff  }
0x1bc: {  	v4 =	vld.idx.msk [tilespmem:v4+s7+$0x0], $0xffff  }
0x1bd: {  	v3 =	vld.idx.msk [tilespmem:v3+s7+$0x0], $0xffff  }
0x1be: {  	v2 =	vld.idx.msk [tilespmem:v2+s7+$0x0], $0xffff;
	v7 =	vmul.f32 v8, v7  }
0x1bf: {  	v1 =	vld.idx.msk [tilespmem:v1+s7+$0x0], $0xffff  }
0x1c0: {  	v0 =	vld.idx.msk [tilespmem:v0+s7+$0x0], $0xffff;
	[tilespmem:s15+$0x141F0] =	vst v7  }
.Ltmp6:
0x1c1: {  	v11 =	vld [tilespmem:s15+$0xC180];
	(pc) =	sbr.rel @p0 .LBB2_14-.Ltmp6, $4  }
0x1c2: {  	v10 =	vld [tilespmem:s15+$0xC190]  }
0x1c3: {  	v9 =	vld [tilespmem:s15+$0xC1A0]  }
0x1c4: {  	v8 =	vld [tilespmem:s15+$0xC1B0]  }
0x1c5: {  	s17 =	sadd.s32 $0x8, s17;
	s18 =	sadd.s32 $0x400, s18;
	v7 =	vld [tilespmem:s15+$0xC1C0]  }
0x1c6: {  	v6 =	vmul.f32 v11, v6;
	v62 =	vld [tilespmem:s15+$0xC1D0]  }
0x1c7: {  	v63 =	vld [tilespmem:s15+$0xC1E0];
	v5 =	vmul.f32 v10, v5  }
0x1c8: {  	[tilespmem:s15+$0x14180] =	vst v6;
	v4 =	vmul.f32 v9, v4  }
0x1c9: {  	[tilespmem:s15+$0x14190] =	vst v5;
	v3 =	vmul.f32 v8, v3  }
0x1ca: {  	[tilespmem:s15+$0x141A0] =	vst v4;
	v2 =	vmul.f32 v7, v2  }
0x1cb: {  	[tilespmem:s15+$0x141B0] =	vst v3;
	v1 =	vmul.f32 v62, v1  }
0x1cc: {  	v0 =	vmul.f32 v63, v0;
	[tilespmem:s15+$0x141C0] =	vst v2  }
0x1cd: {  	[tilespmem:s15+$0x141D0] =	vst v1  }
0x1ce: {  	[tilespmem:s15+$0x141E0] =	vst v0  }
0x1cf: {  	s13 =	rddreg [dreg:$0x11]  }
0x1d0: {  	[hbm4b:s13+s7] =	stream.linear.scatter [tilespmem:s10], [sflag:$0x6], $0x4000, $0x38;
	[tilespmem:$0x18180] =	vst v63  }
0x1d1: {  	_ =	swait.ge [sflag:s11], $0x4000  }
0x1d2: {  	[sflag:s11] =	ssyncset.done $0x0  }
0x1d3: {  	[sflag:s11] =	ssyncadd.s32 $0xFFFFC000  }
0x1d4: {  	_ =	swait.ge [sflag:s12], $0x4000  }
0x1d5: {  	s14 =	sadd.s32 $0x1, s14;
	s25 =	rddreg [dreg:$0x12]  }
0x1d6: {  	p0 =	sne.s32 s14, s25  }
.Ltmp7:
0x1d7: {  	_ = 	snop;
	(pc) =	sbr.rel @p0 .LBB2_1-.Ltmp7, $3  }
0x1d8: {  	_ =	sdelay $0x1  }
0x1d9: {  	[sflag:s12] =	ssyncset.done $0x0  }
0x1da: {  	[sflag:s12] =	ssyncadd.s32 $0xFFFFC000  }
0x1db: {  	_ =	sfence.sel $0x180000  }
0x1dc: {  	[bflag:$0x0] =	sbarrier.arrive $0xFFFF  }
0x1dd: {  	_ =	strace $0x90000047  }
0x1de: {  	s0 =	stileid.u32;
	[bflag:$0x2] =	sbarrier.arrive $0xFFFF  }
0x1df: {  	p0 =	sne.s32 s0, $0x0;
	s0 =	rddreg [dreg:$0x5]  }
0x1e0: {  	s0 =	sadd.s32 @!p0 $0x100000, s0  }
0x1e1: {  	[sflag:s0] =	ssyncadd.tile.s32 @!p0 $0x1;
	_ =	shalt  }
.Lfunc_end2:
_tile_overlayer_lowered:
.L_overlay_start_2:
0x1e2: {  	(tag) =	ssettag $0x2  }
0x1e3: {  	s0 =	rddreg [dreg:$0x0];
	s2 =	stileid.u32  }
0x1e4: {  	s1 =	rddreg [dreg:$0x1];
	p0 =	sne.s32 s2, $0x0  }
0x1e5: {  	s3 =	rddreg [dreg:$0x2];
	[bflag:$0x3] =	sbarrier.arrive $0xFFFF;
	s2 =	simm.s32 @!p0 $0x1C07  }
0x1e6: {  	[timem:s3], [sflag:s2] =	dma.local @!p0 [hbm:s0], s1  }
0x1e7: {  	s0 =	simm.s32 @!p0 $0x7  }
0x1e8: {  	_ =	swait.ge @!p0 [sflag:s0], s1  }
0x1e9: {  	s1 =	ssub.s32 @!p0 $0x0, s1;
	[sflag:s0] =	ssyncset.done @!p0 $0x0  }
0x1ea: {  	[sflag:s0] =	ssyncadd.s32 @!p0 s1  }
0x1eb: {  	[bflag:$0x3] =	sbarrier.arrive $0xFFFF  }
0x1ec: {  	_ =	shalt  }

</sc_bundles>
